<compile_context>
chip_gen: v7x
topology: tpu7x:2x2x1
jax: 0.10.2.dev20260603
libtpu: 0.0.44.dev20260713+nightly
codegen_flags: <defaults>
</compile_context>

<pallas_src>
import jax
import jax.numpy as jnp
from jax.experimental import pallas as pl
from jax.experimental.pallas import tpu as pltpu
from jax.experimental.pallas import tpu_sc as plsc

B, L, D = 16, 64, 256
K = 8192
N = B * L
KT = 1024
NKT = K // KT
LAMBDA_VQ = 0.25
GW = 32


def _vq_body(x2_ref, flat_ref, cb_ref, tok_ref, min_ref, arg_ref):
    j = pl.program_id(0)

    @pl.when(j == 0)
    def _init():
        min_ref[...] = jnp.full((N, 1), jnp.inf, jnp.float32)
        arg_ref[...] = jnp.zeros((N, 1), jnp.int32)

    scores = jax.lax.dot_general(
        flat_ref[...], cb_ref[...], (((1,), (1,)), ((), ())),
        preferred_element_type=jnp.float32)
    cb = cb_ref[...]
    c2 = jnp.sum(cb * cb, axis=1)[None, :]
    d2 = jnp.maximum((x2_ref[...] - 2.0 * scores) + c2, 0.0)
    dist = d2 * jax.lax.rsqrt(d2)
    tile_min = jnp.min(dist, axis=1, keepdims=True)
    iota = jax.lax.broadcasted_iota(jnp.int32, (N, KT), 1)
    masked = jnp.where(dist == tile_min, iota, KT)
    tile_arg = jnp.min(masked, axis=1, keepdims=True) + j * KT
    better = tile_min < min_ref[...]
    arg_ref[...] = jnp.where(better, tile_arg, arg_ref[...])
    min_ref[...] = jnp.where(better, tile_min, min_ref[...])

    @pl.when(j == NKT - 1)
    def _write():
        tok_ref[...] = arg_ref[...]


def _vq_tokens(x2, flat, codebook):
    return pl.pallas_call(
        _vq_body,
        grid=(NKT,),
        in_specs=[
            pl.BlockSpec((N, 1), lambda j: (0, 0)),
            pl.BlockSpec((N, D), lambda j: (0, 0)),
            pl.BlockSpec((KT, D), lambda j: (j, 0)),
        ],
        out_specs=pl.BlockSpec((N, 1), lambda j: (0, 0)),
        out_shape=jax.ShapeDtypeStruct((N, 1), jnp.int32),
        scratch_shapes=[
            pltpu.VMEM((N, 1), jnp.float32),
            pltpu.VMEM((N, 1), jnp.int32),
        ],
    )(x2, flat, codebook)


def _sc_gather(codebook, tokens_rows):
    mesh = plsc.VectorSubcoreMesh(core_axis_name="core",
                                  subcore_axis_name="subcore")

    @pl.kernel(out_type=jax.ShapeDtypeStruct((N, D), codebook.dtype),
               mesh=mesh)
    def gather_kernel(cb_hbm, i_hbm, o_hbm):
        def body(i_vmem, o_vmem):
            pltpu.sync_copy(cb_hbm.at[i_vmem.at[0]], o_vmem)

        pltpu.emit_pipeline(
            body,
            grid=(N // GW,),
            in_specs=[pl.BlockSpec((1, GW), index_map=lambda i: (i, 0))],
            out_specs=[pl.BlockSpec((GW, D), index_map=lambda i: (i, 0))],
            core_axis_name=("core", "subcore"),
            dimension_semantics=(pltpu.PARALLEL,),
        )(i_hbm, o_hbm)

    return gather_kernel(codebook, tokens_rows)


def _gru_body(q_ref, f_ref, wih_ref, whh_ref, bih_ref, bhh_ref,
              wp_ref, bp_ref, cp_ref, com_ref, tot_ref, q3_ref, gi_ref, ys_ref):
    q2 = q_ref[...]
    q3_ref[...] = q2.reshape(L, B, D).transpose(1, 0, 2)
    gi = jax.lax.dot_general(
        q2.astype(jnp.bfloat16), wih_ref[...].astype(jnp.bfloat16),
        (((1,), (1,)), ((), ())),
        preferred_element_type=jnp.float32) + bih_ref[...]
    gi_ref[...] = gi.reshape(L, B, 3 * D)
    whh_b = whh_ref[...].astype(jnp.bfloat16)
    bhh = bhh_ref[...]

    def cell(t, h):
        gi_t = gi_ref[t]
        gh = jax.lax.dot_general(
            h.astype(jnp.bfloat16), whh_b, (((1,), (1,)), ((), ())),
            preferred_element_type=jnp.float32) + bhh
        r = jax.nn.sigmoid(gi_t[:, :D] + gh[:, :D])
        z = jax.nn.sigmoid(gi_t[:, D:2 * D] + gh[:, D:2 * D])
        n = jnp.tanh(gi_t[:, 2 * D:] + r * gh[:, 2 * D:])
        h_new = (1.0 - z) * n + z * h
        ys_ref[t] = h_new
        return h_new

    def step4(i, h):
        h = cell(4 * i + 1, cell(4 * i, h))
        return cell(4 * i + 3, cell(4 * i + 2, h))

    jax.lax.fori_loop(0, L // 4, step4, jnp.zeros((B, D), jnp.float32))

    ctx = jax.lax.dot_general(
        ys_ref[...].reshape(N, D).astype(jnp.bfloat16),
        wp_ref[...].astype(jnp.bfloat16), (((1,), (1,)), ((), ())),
        preferred_element_type=jnp.float32) + bp_ref[...]
    f3 = f_ref[...].transpose(1, 0, 2)
    f2 = f3.reshape(N, D)
    fr2 = jnp.concatenate([f3[:, B - 1:], f3[:, :B - 1]], axis=1).reshape(N, D)
    acc = 0.0
    for k in (1, 2, 3):
        m = (L - k) * B
        pos = jnp.sum(ctx[:m] * f2[k * B:], axis=1, keepdims=True)
        neg = jnp.sum(ctx[:m] * fr2[k * B:], axis=1, keepdims=True)
        lk = -jnp.log(jax.nn.sigmoid(pos)) \
             - LAMBDA_VQ * jnp.log(1.0 - jax.nn.sigmoid(neg))
        acc = acc + jnp.mean(lk)
    cp = acc / 3.0
    diff = f2 - q2
    com = jnp.mean(diff * diff)
    cp_ref[...] = cp.reshape(1, 1)
    com_ref[...] = com.reshape(1, 1)
    tot_ref[...] = ((cp + com) + LAMBDA_VQ * com).reshape(1, 1)


def _gru_loss(qT, fT, W_ih, W_hh, bih, bhh, W_proj, bp):
    args = (qT, fT, W_ih, W_hh, bih, bhh, W_proj, bp)
    return pl.pallas_call(
        _gru_body,
        in_specs=[pl.BlockSpec(a.shape, lambda *_, _nd=a.ndim: (0,) * _nd)
                  for a in args],
        out_specs=[pl.BlockSpec((1, 1), lambda: (0, 0))] * 3
                  + [pl.BlockSpec((B, L, D), lambda: (0, 0, 0))],
        out_shape=[jax.ShapeDtypeStruct((1, 1), jnp.float32)] * 3
                  + [jax.ShapeDtypeStruct((B, L, D), jnp.float32)],
        scratch_shapes=[
            pltpu.VMEM((L, B, 3 * D), jnp.float32),
            pltpu.VMEM((L, B, D), jnp.float32),
        ],
    )(*args)


def kernel(features, codebook, W_ih, W_hh, b_ih, b_hh, W_proj, b_proj):
    flat = features.reshape(-1, D)
    x2 = jnp.sum(flat * flat, axis=-1, keepdims=True)
    tokens = _vq_tokens(x2, flat, codebook)
    token_indices = tokens.reshape(B, L)
    tokens_tm = token_indices.T.reshape(N // GW, GW)
    qT = _sc_gather(codebook, tokens_tm)
    cp, com, tot, q3 = _gru_loss(
        qT, features, W_ih, W_hh,
        b_ih.reshape(1, -1), b_hh.reshape(1, -1), W_proj, b_proj.reshape(1, -1))
    cp = cp.reshape(())
    com = com.reshape(())
    tot = tot.reshape(())
    return (token_indices, q3, cp, com, com, tot)

# --- scband reference (transcript-rebuilt; emitter-appended) ---
"""Pipeline reference for scband-vqsign-28278064677385 (READ-ONLY COPY).

The authoritative reference and input builder live on the scoring server;
editing this copy changes nothing except your own understanding.
"""

import jax, jax.numpy as jnp
import numpy as np

B, L, D = 16, 64, 256
K = 8192
NUM_PREDICT = 3
LAMBDA_VQ = 0.25


def setup_inputs(seed: int = 0) -> dict:
    key = jax.random.key(seed)
    ks = jax.random.split(key, 8)
    features = jax.random.normal(ks[0], (B, L, D), dtype=jnp.float32)
    codebook = jax.random.uniform(ks[1], (K, D), minval=-1.0 / K, maxval=1.0 / K, dtype=jnp.float32)
    s = 1.0 / np.sqrt(D)
    W_ih = jax.random.uniform(ks[2], (3 * D, D), minval=-s, maxval=s, dtype=jnp.float32)
    W_hh = jax.random.uniform(ks[3], (3 * D, D), minval=-s, maxval=s, dtype=jnp.float32)
    b_ih = jax.random.uniform(ks[4], (3 * D,), minval=-s, maxval=s, dtype=jnp.float32)
    b_hh = jax.random.uniform(ks[5], (3 * D,), minval=-s, maxval=s, dtype=jnp.float32)
    W_proj = jax.random.uniform(ks[6], (D, D), minval=-s, maxval=s, dtype=jnp.float32)
    b_proj = jax.random.uniform(ks[7], (D,), minval=-s, maxval=s, dtype=jnp.float32)
    return {"features": features, "codebook": codebook, "W_ih": W_ih, "W_hh": W_hh,
            "b_ih": b_ih, "b_hh": b_hh, "W_proj": W_proj, "b_proj": b_proj}


def _gru(x, W_ih, W_hh, b_ih, b_hh):
    # batch_first GRU, PyTorch gate order (r, z, n)
    Bv, Lv, Dv = x.shape

    def step(h, x_t):
        gi = x_t @ W_ih.T + b_ih
        gh = h @ W_hh.T + b_hh
        i_r, i_z, i_n = jnp.split(gi, 3, axis=-1)
        h_r, h_z, h_n = jnp.split(gh, 3, axis=-1)
        r = jax.nn.sigmoid(i_r + h_r)
        z = jax.nn.sigmoid(i_z + h_z)
        n = jnp.tanh(i_n + r * h_n)
        h_new = (1.0 - z) * n + z * h
        return h_new, h_new

    h0 = jnp.zeros((Bv, Dv), dtype=x.dtype)
    _, ys = jax.lax.scan(step, h0, jnp.swapaxes(x, 0, 1))
    return jnp.swapaxes(ys, 0, 1)


def reference(features, codebook, W_ih, W_hh, b_ih, b_hh, W_proj, b_proj):
    Bv, Lv, Dv = features.shape
    # quantize (torch.cdist p=2 + argmin + embedding lookup)
    flat = features.reshape(-1, Dv)
    x2 = jnp.sum(flat * flat, axis=-1, keepdims=True)
    c2 = jnp.sum(codebook * codebook, axis=-1)
    d2 = x2 - 2.0 * (flat @ codebook.T) + c2[None, :]
    distances = jnp.sqrt(jnp.maximum(d2, 0.0))
    tokens = jnp.argmin(distances, axis=-1)
    quantized = jnp.take(codebook, tokens, axis=0).reshape(Bv, Lv, Dv)
    token_indices = tokens.reshape(Bv, Lv)

    # context prediction loss
    context_rep = _gru(quantized, W_ih, W_hh, b_ih, b_hh)
    context_rep = context_rep @ W_proj.T + b_proj
    rolled = jnp.roll(features, shift=1, axis=0)
    losses = []
    for k in range(1, min(NUM_PREDICT + 1, Lv)):
        pos = jnp.sum(context_rep[:, :-k] * features[:, k:], axis=-1).reshape(-1)
        neg = jnp.sum(context_rep[:, :-k] * rolled[:, k:], axis=-1).reshape(-1)
        loss = -jnp.log(jax.nn.sigmoid(pos)) - LAMBDA_VQ * jnp.log(1.0 - jax.nn.sigmoid(neg))
        losses.append(loss.mean())
    cp_loss = jnp.stack(losses).mean()

    commitment_loss = jnp.mean((features - jax.lax.stop_gradient(quantized)) ** 2)
    codebook_loss = jnp.mean((quantized - jax.lax.stop_gradient(features)) ** 2)
    total_vq_loss = cp_loss + commitment_loss + LAMBDA_VQ * codebook_loss
    return (token_indices, quantized, cp_loss, commitment_loss, codebook_loss, total_vq_loss)

if __name__ == "__main__":
    import jax
    _d = setup_inputs()
    print(jax.jit(kernel)(*tuple(_d.values())))

</pallas_src>

<mosaic_0001>
#map = affine_map<(d0, d1) -> (0, 0)>
module attributes {stable_mosaic.version = 14 : i64} {
  func.func @gather_kernel(%arg0: i32, %arg1: i32, %arg2: memref<8192x256xf32, #tpu.memory_space<hbm>>, %arg3: memref<32x32xi32, #tpu.memory_space<hbm>>, %arg4: memref<1024x256xf32, #tpu.memory_space<hbm>>) attributes {dimension_semantics = [#tpu.dimension_semantics<core_parallel>, #tpu.dimension_semantics<subcore_parallel>], iteration_bounds = array<i64: 2, 16>, scalar_prefetch = 0 : i64, scratch_operands = 0 : i64, tpu.core_type = #tpu.core_type<sc_vector_subcore>, window_params = [{transform_indices = #map}, {transform_indices = #map}, {transform_indices = #map}]} {
    %mul3A = arith.constant 1 : i32
    %mul3A_0 = arith.muli %arg1, %mul3A : i32
    %add3A = arith.constant 0 : i32
    %add3A_1 = arith.addi %add3A, %mul3A_0 : i32
    %mul3A_2 = arith.constant 16 : i32
    %mul3A_3 = arith.muli %arg0, %mul3A_2 : i32
    %add3A_4 = arith.addi %add3A_1, %mul3A_3 : i32
    %mul3A_5 = arith.constant 1 : i32
    %mul3A_6 = arith.muli %add3A_4, %mul3A_5 : i32
    "tpu.region"() ({
      %run_scoped3A = memref.alloca() : memref<2x1x32xi32, #tpu.memory_space<vmem>>
      %run_scoped3A_7 = tpu.sem_alloc : memref<2x!tpu.dma_semaphore, #tpu.memory_space<semaphore_mem>>
      %run_scoped3A_8 = memref.alloca() : memref<2x32x256xf32, #tpu.memory_space<vmem>>
      %run_scoped3A_9 = tpu.sem_alloc : memref<2x!tpu.dma_semaphore, #tpu.memory_space<semaphore_mem>>
      %add3A_10 = arith.constant 0 : i32
      %add3A_11 = arith.addi %add3A_10, %mul3A_6 : i32
      %select_n3A = arith.constant true
      %select_n3A_12 = arith.constant 0 : i32
      %select_n3A_13 = arith.constant -1 : i32
      %select_n3A_14 = arith.select %select_n3A, %select_n3A_13, %select_n3A_12 : i32
      %eq3A = arith.constant -1 : i32
      %eq3A_15 = arith.cmpi eq, %select_n3A_14, %eq3A : i32
      %select_n3A_16 = arith.constant 0 : i32
      %select_n3A_17 = arith.select %eq3A_15, %select_n3A_16, %select_n3A_14 : i32
      %add3A_18 = arith.constant 0 : i32
      %add3A_19 = arith.addi %add3A_18, %mul3A_6 : i32
      %select_n3A_20 = arith.constant true
      %select_n3A_21 = arith.constant 0 : i32
      %select_n3A_22 = arith.constant 1 : i32
      %select_n3A_23 = arith.select %select_n3A_20, %select_n3A_22, %select_n3A_21 : i32
      %eq3A_24 = arith.constant 1 : i32
      %eq3A_25 = arith.cmpi eq, %select_n3A_23, %eq3A_24 : i32
      %select_n3A_26 = arith.constant 0 : i32
      %select_n3A_27 = arith.select %eq3A_25, %select_n3A_26, %select_n3A_23 : i32
      %add3A_28 = arith.constant 0 : i32
      %add3A_29 = arith.addi %add3A_28, %mul3A_6 : i32
      %select_n3A_30 = arith.constant true
      %select_n3A_31 = arith.constant 0 : i32
      %select_n3A_32 = arith.constant 1 : i32
      %select_n3A_33 = arith.select %select_n3A_30, %select_n3A_32, %select_n3A_31 : i32
      %eq3A_34 = arith.constant 1 : i32
      %eq3A_35 = arith.cmpi eq, %select_n3A_33, %eq3A_34 : i32
      %select_n3A_36 = arith.constant 0 : i32
      %select_n3A_37 = arith.select %eq3A_35, %select_n3A_36, %select_n3A_33 : i32
      %add3A_38 = arith.constant 0 : i32
      %add3A_39 = arith.addi %add3A_38, %mul3A_6 : i32
      "tpu.trace_start"() <{level = 10 : i32, message = "ep_initialize_0"}> : () -> ()
      %rem3A = arith.constant 0 : i32
      %rem3A_40 = arith.constant 2 : i32
      %rem3A_41 = arith.remui %rem3A, %rem3A_40 : i32
      %mul3A_42 = arith.constant 1 : i32
      %mul3A_43 = arith.muli %mul3A_42, %add3A_11 : i32
      %dma_start3A = arith.constant 0 : i32
      %dma_start3A_44 = arith.constant 0 : i32
      %dma_start3A_45 = tpu.memref_slice %run_scoped3A[%rem3A_41, %dma_start3A, %dma_start3A_44] : memref<2x1x32xi32, #tpu.memory_space<vmem>> -> memref<1x1x32xi32, #tpu.memory_space<vmem>>
      %dma_start3A_46 = tpu.memref_squeeze %dma_start3A_45 : memref<1x1x32xi32, #tpu.memory_space<vmem>> -> memref<1x32xi32, #tpu.memory_space<vmem>>
      %dma_start3A_47 = arith.constant 0 : i32
      %dma_start3A_48 = tpu.memref_slice %arg3[%mul3A_43, %dma_start3A_47] : memref<32x32xi32, #tpu.memory_space<hbm>> -> memref<1x32xi32, #tpu.memory_space<hbm>>
      %dma_start3A_49 = tpu.memref_slice %run_scoped3A_7[%rem3A_41] : memref<2x!tpu.dma_semaphore, #tpu.memory_space<semaphore_mem>> -> memref<1x!tpu.dma_semaphore, #tpu.memory_space<semaphore_mem>>
      %dma_start3A_50 = tpu.memref_squeeze %dma_start3A_49 : memref<1x!tpu.dma_semaphore, #tpu.memory_space<semaphore_mem>> -> memref<!tpu.dma_semaphore, #tpu.memory_space<semaphore_mem>>
      %dma_start3A_51 = arith.constant 0 : i32
      %dma_start3A_52 = arith.constant 0 : i32
      %dma_start3A_53 = tpu.memref_slice %run_scoped3A[%rem3A_41, %dma_start3A_51, %dma_start3A_52] : memref<2x1x32xi32, #tpu.memory_space<vmem>> -> memref<1x1x32xi32, #tpu.memory_space<vmem>>
      %dma_start3A_54 = tpu.memref_squeeze %dma_start3A_53 : memref<1x1x32xi32, #tpu.memory_space<vmem>> -> memref<1x32xi32, #tpu.memory_space<vmem>>
      %dma_start3A_55 = arith.constant 0 : i32
      %dma_start3A_56 = tpu.memref_slice %arg3[%mul3A_43, %dma_start3A_55] : memref<32x32xi32, #tpu.memory_space<hbm>> -> memref<1x32xi32, #tpu.memory_space<hbm>>
      tpu.enqueue_dma source(%dma_start3A_56 : memref<1x32xi32, #tpu.memory_space<hbm>>) target(%dma_start3A_54 : memref<1x32xi32, #tpu.memory_space<vmem>>) target_semaphore(%dma_start3A_50 : memref<!tpu.dma_semaphore, #tpu.memory_space<semaphore_mem>>)
      %add3A_57 = arith.constant 0 : i32
      %add3A_58 = arith.constant 1 : i32
      %add3A_59 = arith.addi %add3A_57, %add3A_58 : i32
      %select_n3A_60 = arith.constant true
      %select_n3A_61 = arith.constant 0 : i32
      %select_n3A_62 = arith.select %select_n3A_60, %add3A_59, %select_n3A_61 : i32
      "tpu.trace_stop"() : () -> ()
      %scan3A = arith.constant 0 : i32
      %scan3A_63 = arith.constant 0 : i32
      %scan3A_64 = arith.constant 0 : i32
      %scan3A_65 = arith.constant 0 : i32
      %scan3A_66 = arith.constant 0 : i32
      %eq3A_67 = arith.constant 0 : i32
      %eq3A_68 = arith.cmpi eq, %scan3A_66, %eq3A_67 : i32
      %eq3A_69 = arith.constant 0 : i32
      %eq3A_70 = arith.cmpi eq, %scan3A_66, %eq3A_69 : i32
      %add3A_71 = arith.constant 0 : i32
      %add3A_72 = arith.addi %add3A_71, %mul3A_6 : i32
      %select_n3A_73 = arith.constant true
      %select_n3A_74 = arith.constant 0 : i32
      %select_n3A_75 = arith.constant -1 : i32
      %select_n3A_76 = arith.select %select_n3A_73, %select_n3A_75, %select_n3A_74 : i32
      %eq3A_77 = arith.constant -1 : i32
      %eq3A_78 = arith.cmpi eq, %select_n3A_76, %eq3A_77 : i32
      %select_n3A_79 = arith.constant 0 : i32
      %select_n3A_80 = arith.select %eq3A_78, %select_n3A_79, %select_n3A_76 : i32
      %add3A_81 = arith.constant 0 : i32
      %add3A_82 = arith.addi %add3A_81, %mul3A_6 : i32
      %select_n3A_83 = arith.constant true
      %select_n3A_84 = arith.constant 0 : i32
      %select_n3A_85 = arith.constant 1 : i32
      %select_n3A_86 = arith.select %select_n3A_83, %select_n3A_85, %select_n3A_84 : i32
      %eq3A_87 = arith.constant 1 : i32
      %eq3A_88 = arith.cmpi eq, %select_n3A_86, %eq3A_87 : i32
      %select_n3A_89 = arith.constant 0 : i32
      %select_n3A_90 = arith.select %eq3A_88, %select_n3A_89, %select_n3A_86 : i32
      %add3A_91 = arith.constant 0 : i32
      %add3A_92 = arith.addi %add3A_91, %mul3A_6 : i32
      %select_n3A_93 = arith.constant true
      %select_n3A_94 = arith.constant 0 : i32
      %select_n3A_95 = arith.constant 1 : i32
      %select_n3A_96 = arith.select %select_n3A_93, %select_n3A_95, %select_n3A_94 : i32
      %eq3A_97 = arith.constant 1 : i32
      %eq3A_98 = arith.cmpi eq, %select_n3A_96, %eq3A_97 : i32
      %select_n3A_99 = arith.constant 0 : i32
      %select_n3A_100 = arith.select %eq3A_98, %select_n3A_99, %select_n3A_96 : i32
      %add3A_101 = arith.constant 0 : i32
      %add3A_102 = arith.addi %add3A_101, %mul3A_6 : i32
      %ne3A = arith.cmpi ne, %add3A_72, %add3A_92 : i32
      %or3A = arith.constant false
      %or3A_103 = arith.ori %or3A, %ne3A : i1
      %or3A_104 = arith.constant false
      %or3A_105 = arith.ori %or3A_103, %or3A_104 : i1
      %ge3A = arith.constant 0 : i32
      %ge3A_106 = arith.cmpi sge, %scan3A_66, %ge3A : i32
      %not3A = arith.constant true
      %not3A_107 = arith.xori %ge3A_106, %not3A : i1
      %and3A = arith.andi %or3A_105, %not3A_107 : i1
      %convert_element_type3A = arith.extui %and3A : i1 to i32
      %cond3A = arith.constant 0 : i32
      %cond3A_108 = arith.cmpi ne, %convert_element_type3A, %cond3A : i32
      scf.if %cond3A_108 {
        "tpu.trace_start"() <{level = 10 : i32, message = "ep_copy_in"}> : () -> ()
        %rem3A_276 = arith.constant 2 : i32
        %rem3A_277 = arith.remui %select_n3A_62, %rem3A_276 : i32
        %mul3A_278 = arith.constant 1 : i32
        %mul3A_279 = arith.muli %mul3A_278, %add3A_92 : i32
        %dma_start3A_280 = arith.constant 0 : i32
        %dma_start3A_281 = arith.constant 0 : i32
        %dma_start3A_282 = tpu.memref_slice %run_scoped3A[%rem3A_277, %dma_start3A_280, %dma_start3A_281] : memref<2x1x32xi32, #tpu.memory_space<vmem>> -> memref<1x1x32xi32, #tpu.memory_space<vmem>>
        %dma_start3A_283 = tpu.memref_squeeze %dma_start3A_282 : memref<1x1x32xi32, #tpu.memory_space<vmem>> -> memref<1x32xi32, #tpu.memory_space<vmem>>
        %dma_start3A_284 = arith.constant 0 : i32
        %dma_start3A_285 = tpu.memref_slice %arg3[%mul3A_279, %dma_start3A_284] : memref<32x32xi32, #tpu.memory_space<hbm>> -> memref<1x32xi32, #tpu.memory_space<hbm>>
        %dma_start3A_286 = tpu.memref_slice %run_scoped3A_7[%rem3A_277] : memref<2x!tpu.dma_semaphore, #tpu.memory_space<semaphore_mem>> -> memref<1x!tpu.dma_semaphore, #tpu.memory_space<semaphore_mem>>
        %dma_start3A_287 = tpu.memref_squeeze %dma_start3A_286 : memref<1x!tpu.dma_semaphore, #tpu.memory_space<semaphore_mem>> -> memref<!tpu.dma_semaphore, #tpu.memory_space<semaphore_mem>>
        %dma_start3A_288 = arith.constant 0 : i32
        %dma_start3A_289 = arith.constant 0 : i32
        %dma_start3A_290 = tpu.memref_slice %run_scoped3A[%rem3A_277, %dma_start3A_288, %dma_start3A_289] : memref<2x1x32xi32, #tpu.memory_space<vmem>> -> memref<1x1x32xi32, #tpu.memory_space<vmem>>
        %dma_start3A_291 = tpu.memref_squeeze %dma_start3A_290 : memref<1x1x32xi32, #tpu.memory_space<vmem>> -> memref<1x32xi32, #tpu.memory_space<vmem>>
        %dma_start3A_292 = arith.constant 0 : i32
        %dma_start3A_293 = tpu.memref_slice %arg3[%mul3A_279, %dma_start3A_292] : memref<32x32xi32, #tpu.memory_space<hbm>> -> memref<1x32xi32, #tpu.memory_space<hbm>>
        tpu.enqueue_dma source(%dma_start3A_293 : memref<1x32xi32, #tpu.memory_space<hbm>>) target(%dma_start3A_291 : memref<1x32xi32, #tpu.memory_space<vmem>>) target_semaphore(%dma_start3A_287 : memref<!tpu.dma_semaphore, #tpu.memory_space<semaphore_mem>>)
        "tpu.trace_stop"() : () -> ()
      } else {
      }
      %and3A_109 = arith.constant true
      %and3A_110 = arith.andi %and3A, %and3A_109 : i1
      %add3A_111 = arith.constant 1 : i32
      %add3A_112 = arith.addi %select_n3A_62, %add3A_111 : i32
      %select_n3A_113 = arith.select %and3A_110, %add3A_112, %select_n3A_62 : i32
      %ne3A_114 = arith.cmpi ne, %add3A_72, %add3A_92 : i32
      %or3A_115 = arith.constant false
      %or3A_116 = arith.ori %or3A_115, %ne3A_114 : i1
      %or3A_117 = arith.constant false
      %or3A_118 = arith.ori %or3A_116, %or3A_117 : i1
      %ge3A_119 = arith.constant 0 : i32
      %ge3A_120 = arith.cmpi sge, %scan3A_66, %ge3A_119 : i32
      %not3A_121 = arith.constant true
      %not3A_122 = arith.xori %ge3A_120, %not3A_121 : i1
      %and3A_123 = arith.andi %or3A_118, %not3A_122 : i1
      %ne3A_124 = arith.cmpi ne, %add3A_72, %add3A_82 : i32
      %or3A_125 = arith.constant false
      %or3A_126 = arith.ori %or3A_125, %ne3A_124 : i1
      %or3A_127 = arith.constant false
      %or3A_128 = arith.ori %or3A_126, %or3A_127 : i1
      %or3A_129 = arith.ori %or3A_128, %eq3A_68 : i1
      %convert_element_type3A_130 = arith.extui %or3A_129 : i1 to i32
      %cond3A_131 = arith.constant 0 : i32
      %cond3A_132 = arith.cmpi ne, %convert_element_type3A_130, %cond3A_131 : i32
      scf.if %cond3A_132 {
        "tpu.trace_start"() <{level = 10 : i32, message = "ep_wait_in"}> : () -> ()
        %mul3A_276 = arith.constant 1 : i32
        %mul3A_277 = arith.muli %mul3A_276, %add3A_72 : i32
        %rem3A_278 = arith.constant 2 : i32
        %rem3A_279 = arith.remui %scan3A, %rem3A_278 : i32
        %dma_wait3A_280 = arith.constant 0 : i32
        %dma_wait3A_281 = arith.constant 0 : i32
        %dma_wait3A_282 = tpu.memref_slice %run_scoped3A[%rem3A_279, %dma_wait3A_280, %dma_wait3A_281] : memref<2x1x32xi32, #tpu.memory_space<vmem>> -> memref<1x1x32xi32, #tpu.memory_space<vmem>>
        %dma_wait3A_283 = tpu.memref_squeeze %dma_wait3A_282 : memref<1x1x32xi32, #tpu.memory_space<vmem>> -> memref<1x32xi32, #tpu.memory_space<vmem>>
        %dma_wait3A_284 = arith.constant 0 : i32
        %dma_wait3A_285 = tpu.memref_slice %arg3[%mul3A_277, %dma_wait3A_284] : memref<32x32xi32, #tpu.memory_space<hbm>> -> memref<1x32xi32, #tpu.memory_space<hbm>>
        %dma_wait3A_286 = tpu.memref_slice %run_scoped3A_7[%rem3A_279] : memref<2x!tpu.dma_semaphore, #tpu.memory_space<semaphore_mem>> -> memref<1x!tpu.dma_semaphore, #tpu.memory_space<semaphore_mem>>
        %dma_wait3A_287 = tpu.memref_squeeze %dma_wait3A_286 : memref<1x!tpu.dma_semaphore, #tpu.memory_space<semaphore_mem>> -> memref<!tpu.dma_semaphore, #tpu.memory_space<semaphore_mem>>
        %dma_wait3A_288 = arith.constant 0 : i32
        %dma_wait3A_289 = arith.constant 0 : i32
        %dma_wait3A_290 = tpu.memref_slice %run_scoped3A[%rem3A_279, %dma_wait3A_288, %dma_wait3A_289] : memref<2x1x32xi32, #tpu.memory_space<vmem>> -> memref<1x1x32xi32, #tpu.memory_space<vmem>>
        %dma_wait3A_291 = tpu.memref_squeeze %dma_wait3A_290 : memref<1x1x32xi32, #tpu.memory_space<vmem>> -> memref<1x32xi32, #tpu.memory_space<vmem>>
        %dma_wait3A_292 = arith.constant 0 : i32
        %dma_wait3A_293 = tpu.memref_slice %arg3[%mul3A_277, %dma_wait3A_292] : memref<32x32xi32, #tpu.memory_space<hbm>> -> memref<1x32xi32, #tpu.memory_space<hbm>>
        tpu.wait_dma2 semaphore(%dma_wait3A_287 : memref<!tpu.dma_semaphore, #tpu.memory_space<semaphore_mem>>) src(%dma_wait3A_293 : memref<1x32xi32, #tpu.memory_space<hbm>>) dst(%dma_wait3A_291 : memref<1x32xi32, #tpu.memory_space<vmem>>)
        "tpu.trace_stop"() : () -> ()
      } else {
      }
      %ne3A_133 = arith.cmpi ne, %add3A_72, %add3A_82 : i32
      %or3A_134 = arith.constant false
      %or3A_135 = arith.ori %or3A_134, %ne3A_133 : i1
      %or3A_136 = arith.constant false
      %or3A_137 = arith.ori %or3A_135, %or3A_136 : i1
      %or3A_138 = arith.ori %or3A_137, %eq3A_68 : i1
      %convert_element_type3A_139 = arith.extui %or3A_138 : i1 to i32
      %cond3A_140 = arith.constant 0 : i32
      %cond3A_141 = arith.cmpi ne, %convert_element_type3A_139, %cond3A_140 : i32
      scf.if %cond3A_141 {
      } else {
      }
      %rem3A_142 = arith.constant 2 : i32
      %rem3A_143 = arith.remui %scan3A, %rem3A_142 : i32
      %rem3A_144 = arith.constant 2 : i32
      %rem3A_145 = arith.remui %scan3A_63, %rem3A_144 : i32
      %run_scoped3A_146 = arith.constant 0 : i32
      "tpu.trace_start"() <{level = 10 : i32, message = "ep_run_kernel"}> : () -> ()
      "tpu.region"() ({
        %run_scoped3A_276 = tpu.sem_alloc : memref<!tpu.dma_semaphore, #tpu.memory_space<semaphore_mem>>
        %dma_start3A_277 = arith.constant 0 : i32
        %dma_start3A_278 = arith.constant 0 : i32
        %dma_start3A_279 = tpu.memref_slice %run_scoped3A_8[%rem3A_145, %dma_start3A_277, %dma_start3A_278] : memref<2x32x256xf32, #tpu.memory_space<vmem>> -> memref<1x32x256xf32, #tpu.memory_space<vmem>>
        %dma_start3A_280 = tpu.memref_squeeze %dma_start3A_279 : memref<1x32x256xf32, #tpu.memory_space<vmem>> -> memref<32x256xf32, #tpu.memory_space<vmem>>
        %dma_start3A_281 = arith.constant 0 : i32
        %dma_start3A_282 = arith.constant 0 : i32
        %dma_start3A_283 = tpu.memref_slice %run_scoped3A[%rem3A_143, %dma_start3A_281, %dma_start3A_282] : memref<2x1x32xi32, #tpu.memory_space<vmem>> -> memref<1x1x32xi32, #tpu.memory_space<vmem>>
        %dma_start3A_284 = tpu.memref_squeeze %dma_start3A_283 : memref<1x1x32xi32, #tpu.memory_space<vmem>> -> memref<1x32xi32, #tpu.memory_space<vmem>>
        %dma_start3A_285 = arith.constant 0 : i32
        %dma_start3A_286 = tpu.memref_slice %dma_start3A_284[%run_scoped3A_146, %dma_start3A_285] : memref<1x32xi32, #tpu.memory_space<vmem>> -> memref<1x32xi32, #tpu.memory_space<vmem>>
        %dma_start3A_287 = tpu.memref_squeeze %dma_start3A_286 : memref<1x32xi32, #tpu.memory_space<vmem>> -> memref<32xi32, #tpu.memory_space<vmem>>
        %dma_start3A_288 = arith.constant 0 : i32
        %dma_start3A_289 = arith.constant 0 : i32
        %dma_start3A_290 = tpu.memref_slice %arg2[%dma_start3A_288, %dma_start3A_289] : memref<8192x256xf32, #tpu.memory_space<hbm>> -> memref<8192x256xf32, #tpu.memory_space<hbm>>
        tpu.enqueue_indirect_dma source(%dma_start3A_290 : memref<8192x256xf32, #tpu.memory_space<hbm>>) target(%dma_start3A_280 : memref<32x256xf32, #tpu.memory_space<vmem>>) offsets(%dma_start3A_287 : memref<32xi32, #tpu.memory_space<vmem>>) semaphore(%run_scoped3A_276 : memref<!tpu.dma_semaphore, #tpu.memory_space<semaphore_mem>>)
        %dma_wait3A_291 = arith.constant 0 : i32
        %dma_wait3A_292 = arith.constant 0 : i32
        %dma_wait3A_293 = tpu.memref_slice %run_scoped3A_8[%rem3A_145, %dma_wait3A_291, %dma_wait3A_292] : memref<2x32x256xf32, #tpu.memory_space<vmem>> -> memref<1x32x256xf32, #tpu.memory_space<vmem>>
        %dma_wait3A_294 = tpu.memref_squeeze %dma_wait3A_293 : memref<1x32x256xf32, #tpu.memory_space<vmem>> -> memref<32x256xf32, #tpu.memory_space<vmem>>
        %dma_wait3A_295 = arith.constant 0 : i32
        %dma_wait3A_296 = arith.constant 0 : i32
        %dma_wait3A_297 = tpu.memref_slice %run_scoped3A[%rem3A_143, %dma_wait3A_295, %dma_wait3A_296] : memref<2x1x32xi32, #tpu.memory_space<vmem>> -> memref<1x1x32xi32, #tpu.memory_space<vmem>>
        %dma_wait3A_298 = tpu.memref_squeeze %dma_wait3A_297 : memref<1x1x32xi32, #tpu.memory_space<vmem>> -> memref<1x32xi32, #tpu.memory_space<vmem>>
        %dma_wait3A_299 = arith.constant 0 : i32
        %dma_wait3A_300 = tpu.memref_slice %dma_wait3A_298[%run_scoped3A_146, %dma_wait3A_299] : memref<1x32xi32, #tpu.memory_space<vmem>> -> memref<1x32xi32, #tpu.memory_space<vmem>>
        %dma_wait3A_301 = tpu.memref_squeeze %dma_wait3A_300 : memref<1x32xi32, #tpu.memory_space<vmem>> -> memref<32xi32, #tpu.memory_space<vmem>>
        %dma_wait3A_302 = arith.constant 0 : i32
        %dma_wait3A_303 = arith.constant 0 : i32
        %dma_wait3A_304 = tpu.memref_slice %arg2[%dma_wait3A_302, %dma_wait3A_303] : memref<8192x256xf32, #tpu.memory_space<hbm>> -> memref<8192x256xf32, #tpu.memory_space<hbm>>
        tpu.wait_indirect_dma semaphore(%run_scoped3A_276 : memref<!tpu.dma_semaphore, #tpu.memory_space<semaphore_mem>>) src(%dma_wait3A_304 : memref<8192x256xf32, #tpu.memory_space<hbm>>) dst(%dma_wait3A_294 : memref<32x256xf32, #tpu.memory_space<vmem>>)
        tpu.yield
      }) : () -> ()
      "tpu.trace_stop"() : () -> ()
      %ne3A_147 = arith.cmpi ne, %add3A_72, %add3A_92 : i32
      %or3A_148 = arith.constant false
      %or3A_149 = arith.ori %or3A_148, %ne3A_147 : i1
      %or3A_150 = arith.constant false
      %or3A_151 = arith.ori %or3A_149, %or3A_150 : i1
      %or3A_152 = arith.ori %or3A_151, %eq3A_70 : i1
      %convert_element_type3A_153 = arith.extui %or3A_152 : i1 to i32
      %cond3A_154 = arith.constant 0 : i32
      %cond3A_155 = arith.cmpi ne, %convert_element_type3A_153, %cond3A_154 : i32
      scf.if %cond3A_155 {
      } else {
      }
      %and3A_156 = arith.constant false
      %and3A_157 = arith.andi %or3A_152, %and3A_156 : i1
      %ne3A_158 = arith.cmpi ne, %add3A_72, %add3A_92 : i32
      %or3A_159 = arith.constant false
      %or3A_160 = arith.ori %or3A_159, %ne3A_158 : i1
      %or3A_161 = arith.constant false
      %or3A_162 = arith.ori %or3A_160, %or3A_161 : i1
      %or3A_163 = arith.ori %or3A_162, %eq3A_70 : i1
      %convert_element_type3A_164 = arith.extui %or3A_163 : i1 to i32
      %cond3A_165 = arith.constant 0 : i32
      %cond3A_166 = arith.cmpi ne, %convert_element_type3A_164, %cond3A_165 : i32
      scf.if %cond3A_166 {
        "tpu.trace_start"() <{level = 10 : i32, message = "ep_copy_out"}> : () -> ()
        %rem3A_276 = arith.constant 2 : i32
        %rem3A_277 = arith.remui %scan3A_63, %rem3A_276 : i32
        %mul3A_278 = arith.constant 32 : i32
        %mul3A_279 = arith.muli %mul3A_278, %add3A_72 : i32
        %dma_start3A_280 = arith.constant 0 : i32
        %dma_start3A_281 = arith.constant 0 : i32
        %dma_start3A_282 = tpu.memref_slice %run_scoped3A_8[%rem3A_277, %dma_start3A_280, %dma_start3A_281] : memref<2x32x256xf32, #tpu.memory_space<vmem>> -> memref<1x32x256xf32, #tpu.memory_space<vmem>>
        %dma_start3A_283 = tpu.memref_squeeze %dma_start3A_282 : memref<1x32x256xf32, #tpu.memory_space<vmem>> -> memref<32x256xf32, #tpu.memory_space<vmem>>
        %dma_start3A_284 = arith.constant 0 : i32
        %dma_start3A_285 = tpu.memref_slice %arg4[%mul3A_279, %dma_start3A_284] : memref<1024x256xf32, #tpu.memory_space<hbm>> -> memref<32x256xf32, #tpu.memory_space<hbm>>
        %dma_start3A_286 = tpu.memref_slice %run_scoped3A_9[%rem3A_277] : memref<2x!tpu.dma_semaphore, #tpu.memory_space<semaphore_mem>> -> memref<1x!tpu.dma_semaphore, #tpu.memory_space<semaphore_mem>>
        %dma_start3A_287 = tpu.memref_squeeze %dma_start3A_286 : memref<1x!tpu.dma_semaphore, #tpu.memory_space<semaphore_mem>> -> memref<!tpu.dma_semaphore, #tpu.memory_space<semaphore_mem>>
        %dma_start3A_288 = arith.constant 0 : i32
        %dma_start3A_289 = tpu.memref_slice %arg4[%mul3A_279, %dma_start3A_288] : memref<1024x256xf32, #tpu.memory_space<hbm>> -> memref<32x256xf32, #tpu.memory_space<hbm>>
        %dma_start3A_290 = arith.constant 0 : i32
        %dma_start3A_291 = arith.constant 0 : i32
        %dma_start3A_292 = tpu.memref_slice %run_scoped3A_8[%rem3A_277, %dma_start3A_290, %dma_start3A_291] : memref<2x32x256xf32, #tpu.memory_space<vmem>> -> memref<1x32x256xf32, #tpu.memory_space<vmem>>
        %dma_start3A_293 = tpu.memref_squeeze %dma_start3A_292 : memref<1x32x256xf32, #tpu.memory_space<vmem>> -> memref<32x256xf32, #tpu.memory_space<vmem>>
        tpu.enqueue_dma source(%dma_start3A_293 : memref<32x256xf32, #tpu.memory_space<vmem>>) target(%dma_start3A_289 : memref<32x256xf32, #tpu.memory_space<hbm>>) target_semaphore(%dma_start3A_287 : memref<!tpu.dma_semaphore, #tpu.memory_space<semaphore_mem>>)
        "tpu.trace_stop"() : () -> ()
      } else {
      }
      %and3A_167 = arith.constant true
      %and3A_168 = arith.andi %or3A_163, %and3A_167 : i1
      %add3A_169 = arith.constant 1 : i32
      %add3A_170 = arith.addi %scan3A_63, %add3A_169 : i32
      %select_n3A_171 = arith.select %and3A_168, %add3A_170, %scan3A_63 : i32
      %ne3A_172 = arith.cmpi ne, %add3A_72, %add3A_82 : i32
      %or3A_173 = arith.constant false
      %or3A_174 = arith.ori %or3A_173, %ne3A_172 : i1
      %or3A_175 = arith.constant false
      %or3A_176 = arith.ori %or3A_174, %or3A_175 : i1
      %not3A_177 = arith.constant true
      %not3A_178 = arith.xori %eq3A_68, %not3A_177 : i1
      %and3A_179 = arith.andi %or3A_176, %not3A_178 : i1
      %convert_element_type3A_180 = arith.extui %and3A_179 : i1 to i32
      %cond3A_181 = arith.constant 0 : i32
      %cond3A_182 = arith.cmpi ne, %convert_element_type3A_180, %cond3A_181 : i32
      scf.if %cond3A_182 {
      } else {
      }
      %and3A_183 = arith.constant false
      %and3A_184 = arith.andi %and3A_179, %and3A_183 : i1
      %ne3A_185 = arith.cmpi ne, %add3A_72, %add3A_82 : i32
      %or3A_186 = arith.constant false
      %or3A_187 = arith.ori %or3A_186, %ne3A_185 : i1
      %or3A_188 = arith.constant false
      %or3A_189 = arith.ori %or3A_187, %or3A_188 : i1
      %not3A_190 = arith.constant true
      %not3A_191 = arith.xori %eq3A_68, %not3A_190 : i1
      %and3A_192 = arith.andi %or3A_189, %not3A_191 : i1
      %convert_element_type3A_193 = arith.extui %and3A_192 : i1 to i32
      %cond3A_194 = arith.constant 0 : i32
      %cond3A_195 = arith.cmpi ne, %convert_element_type3A_193, %cond3A_194 : i32
      scf.if %cond3A_195 {
        "tpu.trace_start"() <{level = 10 : i32, message = "ep_wait_out"}> : () -> ()
        %rem3A_276 = arith.constant 2 : i32
        %rem3A_277 = arith.remui %scan3A_64, %rem3A_276 : i32
        %mul3A_278 = arith.constant 32 : i32
        %mul3A_279 = arith.muli %mul3A_278, %add3A_82 : i32
        %dma_wait3A_280 = arith.constant 0 : i32
        %dma_wait3A_281 = arith.constant 0 : i32
        %dma_wait3A_282 = tpu.memref_slice %run_scoped3A_8[%rem3A_277, %dma_wait3A_280, %dma_wait3A_281] : memref<2x32x256xf32, #tpu.memory_space<vmem>> -> memref<1x32x256xf32, #tpu.memory_space<vmem>>
        %dma_wait3A_283 = tpu.memref_squeeze %dma_wait3A_282 : memref<1x32x256xf32, #tpu.memory_space<vmem>> -> memref<32x256xf32, #tpu.memory_space<vmem>>
        %dma_wait3A_284 = arith.constant 0 : i32
        %dma_wait3A_285 = tpu.memref_slice %arg4[%mul3A_279, %dma_wait3A_284] : memref<1024x256xf32, #tpu.memory_space<hbm>> -> memref<32x256xf32, #tpu.memory_space<hbm>>
        %dma_wait3A_286 = tpu.memref_slice %run_scoped3A_9[%rem3A_277] : memref<2x!tpu.dma_semaphore, #tpu.memory_space<semaphore_mem>> -> memref<1x!tpu.dma_semaphore, #tpu.memory_space<semaphore_mem>>
        %dma_wait3A_287 = tpu.memref_squeeze %dma_wait3A_286 : memref<1x!tpu.dma_semaphore, #tpu.memory_space<semaphore_mem>> -> memref<!tpu.dma_semaphore, #tpu.memory_space<semaphore_mem>>
        %dma_wait3A_288 = arith.constant 0 : i32
        %dma_wait3A_289 = tpu.memref_slice %arg4[%mul3A_279, %dma_wait3A_288] : memref<1024x256xf32, #tpu.memory_space<hbm>> -> memref<32x256xf32, #tpu.memory_space<hbm>>
        %dma_wait3A_290 = arith.constant 0 : i32
        %dma_wait3A_291 = arith.constant 0 : i32
        %dma_wait3A_292 = tpu.memref_slice %run_scoped3A_8[%rem3A_277, %dma_wait3A_290, %dma_wait3A_291] : memref<2x32x256xf32, #tpu.memory_space<vmem>> -> memref<1x32x256xf32, #tpu.memory_space<vmem>>
        %dma_wait3A_293 = tpu.memref_squeeze %dma_wait3A_292 : memref<1x32x256xf32, #tpu.memory_space<vmem>> -> memref<32x256xf32, #tpu.memory_space<vmem>>
        tpu.wait_dma2 semaphore(%dma_wait3A_287 : memref<!tpu.dma_semaphore, #tpu.memory_space<semaphore_mem>>) src(%dma_wait3A_293 : memref<32x256xf32, #tpu.memory_space<vmem>>) dst(%dma_wait3A_289 : memref<32x256xf32, #tpu.memory_space<hbm>>)
        "tpu.trace_stop"() : () -> ()
      } else {
      }
      %and3A_196 = arith.constant true
      %and3A_197 = arith.andi %and3A_192, %and3A_196 : i1
      %add3A_198 = arith.constant 1 : i32
      %add3A_199 = arith.addi %scan3A_64, %add3A_198 : i32
      %select_n3A_200 = arith.select %and3A_197, %add3A_199, %scan3A_64 : i32
      %ne3A_201 = arith.cmpi ne, %add3A_72, %add3A_92 : i32
      %or3A_202 = arith.constant false
      %or3A_203 = arith.ori %or3A_202, %ne3A_201 : i1
      %or3A_204 = arith.constant false
      %or3A_205 = arith.ori %or3A_203, %or3A_204 : i1
      %or3A_206 = arith.ori %or3A_205, %eq3A_70 : i1
      %add3A_207 = arith.constant 1 : i32
      %add3A_208 = arith.addi %scan3A, %add3A_207 : i32
      %select_n3A_209 = arith.select %or3A_206, %add3A_208, %scan3A : i32
      %select_n3A_210 = arith.constant true
      %select_n3A_211 = arith.constant 0 : i32
      %select_n3A_212 = arith.constant 1 : i32
      %select_n3A_213 = arith.select %select_n3A_210, %select_n3A_212, %select_n3A_211 : i32
      %eq3A_214 = arith.constant 1 : i32
      %eq3A_215 = arith.cmpi eq, %select_n3A_213, %eq3A_214 : i32
      %select_n3A_216 = arith.constant 0 : i32
      %select_n3A_217 = arith.select %eq3A_215, %select_n3A_216, %select_n3A_213 : i32
      %scan3A_218 = arith.constant 0 : i32
      %scan3A_219 = arith.constant 1 : i32
      %sub3A = arith.constant 1 : i32
      %sub3A_220 = arith.subi %scan3A_218, %sub3A : i32
      %select_n3A_221 = arith.constant true
      %select_n3A_222 = arith.select %select_n3A_221, %sub3A_220, %scan3A_218 : i32
      %eq3A_223 = arith.constant -1 : i32
      %eq3A_224 = arith.cmpi eq, %select_n3A_222, %eq3A_223 : i32
      %select_n3A_225 = arith.constant 0 : i32
      %select_n3A_226 = arith.select %eq3A_224, %select_n3A_225, %select_n3A_222 : i32
      %add3A_227 = arith.constant 0 : i32
      %add3A_228 = arith.addi %add3A_227, %mul3A_6 : i32
      %select_n3A_229 = arith.constant true
      %select_n3A_230 = arith.constant 0 : i32
      %select_n3A_231 = arith.constant -1 : i32
      %select_n3A_232 = arith.select %select_n3A_229, %select_n3A_231, %select_n3A_230 : i32
      %eq3A_233 = arith.constant -1 : i32
      %eq3A_234 = arith.cmpi eq, %select_n3A_232, %eq3A_233 : i32
      %select_n3A_235 = arith.constant 0 : i32
      %select_n3A_236 = arith.select %eq3A_234, %select_n3A_235, %select_n3A_232 : i32
      %add3A_237 = arith.constant 0 : i32
      %add3A_238 = arith.addi %add3A_237, %mul3A_6 : i32
      %select_n3A_239 = arith.constant true
      %select_n3A_240 = arith.constant 0 : i32
      %select_n3A_241 = arith.constant 1 : i32
      %select_n3A_242 = arith.select %select_n3A_239, %select_n3A_241, %select_n3A_240 : i32
      %eq3A_243 = arith.constant 1 : i32
      %eq3A_244 = arith.cmpi eq, %select_n3A_242, %eq3A_243 : i32
      %select_n3A_245 = arith.constant 0 : i32
      %select_n3A_246 = arith.select %eq3A_244, %select_n3A_245, %select_n3A_242 : i32
      %add3A_247 = arith.constant 0 : i32
      %add3A_248 = arith.addi %add3A_247, %mul3A_6 : i32
      %select_n3A_249 = arith.constant true
      %select_n3A_250 = arith.constant 0 : i32
      %select_n3A_251 = arith.constant 1 : i32
      %select_n3A_252 = arith.select %select_n3A_249, %select_n3A_251, %select_n3A_250 : i32
      %eq3A_253 = arith.constant 1 : i32
      %eq3A_254 = arith.cmpi eq, %select_n3A_252, %eq3A_253 : i32
      %select_n3A_255 = arith.constant 0 : i32
      %select_n3A_256 = arith.select %eq3A_254, %select_n3A_255, %select_n3A_252 : i32
      %add3A_257 = arith.constant 0 : i32
      %add3A_258 = arith.addi %add3A_257, %mul3A_6 : i32
      "tpu.trace_start"() <{level = 10 : i32, message = "ep_finalize"}> : () -> ()
      %rem3A_259 = arith.constant 2 : i32
      %rem3A_260 = arith.remui %select_n3A_200, %rem3A_259 : i32
      %mul3A_261 = arith.constant 32 : i32
      %mul3A_262 = arith.muli %mul3A_261, %add3A_228 : i32
      %dma_wait3A = arith.constant 0 : i32
      %dma_wait3A_263 = arith.constant 0 : i32
      %dma_wait3A_264 = tpu.memref_slice %run_scoped3A_8[%rem3A_260, %dma_wait3A, %dma_wait3A_263] : memref<2x32x256xf32, #tpu.memory_space<vmem>> -> memref<1x32x256xf32, #tpu.memory_space<vmem>>
      %dma_wait3A_265 = tpu.memref_squeeze %dma_wait3A_264 : memref<1x32x256xf32, #tpu.memory_space<vmem>> -> memref<32x256xf32, #tpu.memory_space<vmem>>
      %dma_wait3A_266 = arith.constant 0 : i32
      %dma_wait3A_267 = tpu.memref_slice %arg4[%mul3A_262, %dma_wait3A_266] : memref<1024x256xf32, #tpu.memory_space<hbm>> -> memref<32x256xf32, #tpu.memory_space<hbm>>
      %dma_wait3A_268 = tpu.memref_slice %run_scoped3A_9[%rem3A_260] : memref<2x!tpu.dma_semaphore, #tpu.memory_space<semaphore_mem>> -> memref<1x!tpu.dma_semaphore, #tpu.memory_space<semaphore_mem>>
      %dma_wait3A_269 = tpu.memref_squeeze %dma_wait3A_268 : memref<1x!tpu.dma_semaphore, #tpu.memory_space<semaphore_mem>> -> memref<!tpu.dma_semaphore, #tpu.memory_space<semaphore_mem>>
      %dma_wait3A_270 = arith.constant 0 : i32
      %dma_wait3A_271 = tpu.memref_slice %arg4[%mul3A_262, %dma_wait3A_270] : memref<1024x256xf32, #tpu.memory_space<hbm>> -> memref<32x256xf32, #tpu.memory_space<hbm>>
      %dma_wait3A_272 = arith.constant 0 : i32
      %dma_wait3A_273 = arith.constant 0 : i32
      %dma_wait3A_274 = tpu.memref_slice %run_scoped3A_8[%rem3A_260, %dma_wait3A_272, %dma_wait3A_273] : memref<2x32x256xf32, #tpu.memory_space<vmem>> -> memref<1x32x256xf32, #tpu.memory_space<vmem>>
      %dma_wait3A_275 = tpu.memref_squeeze %dma_wait3A_274 : memref<1x32x256xf32, #tpu.memory_space<vmem>> -> memref<32x256xf32, #tpu.memory_space<vmem>>
      tpu.wait_dma2 semaphore(%dma_wait3A_269 : memref<!tpu.dma_semaphore, #tpu.memory_space<semaphore_mem>>) src(%dma_wait3A_275 : memref<32x256xf32, #tpu.memory_space<vmem>>) dst(%dma_wait3A_271 : memref<32x256xf32, #tpu.memory_space<hbm>>)
      "tpu.trace_stop"() : () -> ()
      tpu.yield
    }) : () -> ()
    return
  }
}

module attributes {stable_mosaic.version = 14 : i64} {
  func.func @_vq_body(%arg0: i32, %arg1: memref<1024x1xf32, #tpu.memory_space<vmem>>, %arg2: memref<1024x256xf32, #tpu.memory_space<vmem>>, %arg3: memref<1024x256xf32, #tpu.memory_space<vmem>>, %arg4: memref<1024x1xi32, #tpu.memory_space<vmem>>, %arg5: memref<1024x1xf32, #tpu.memory_space<vmem>>, %arg6: memref<1024x1xi32, #tpu.memory_space<vmem>>) attributes {dimension_semantics = [#tpu.dimension_semantics<arbitrary>], iteration_bounds = array<i64: 8>, scalar_prefetch = 0 : i64, scratch_operands = 2 : i64, tpu.core_type = #tpu.core_type<tc>, window_params = [{pipeline_mode = #tpu.pipeline_mode<synchronous>, transform_indices = @transform_0, window_bounds = array<i64: 1024, 1>}, {pipeline_mode = #tpu.pipeline_mode<synchronous>, transform_indices = @transform_1, window_bounds = array<i64: 1024, 256>}, {transform_indices = @transform_2, window_bounds = array<i64: 1024, 256>}, {pipeline_mode = #tpu.pipeline_mode<synchronous>, transform_indices = @transform_3, window_bounds = array<i64: 1024, 1>}]} {
    %eq3A = arith.constant 0 : i32
    %eq3A_0 = arith.cmpi eq, %arg0, %eq3A : i32
    %convert_element_type3A = arith.extui %eq3A_0 : i1 to i32
    %cond3A = arith.constant 0 : i32
    %cond3A_1 = arith.cmpi ne, %convert_element_type3A, %cond3A : i32
    scf.if %cond3A_1 {
      %broadcast_in_dim3A_56 = arith.constant 0x7F800000 : f32
      %broadcast_in_dim3A_57 = vector.broadcast %broadcast_in_dim3A_56 : f32 to vector<1024x1xf32>
      %swap3A_58 = arith.constant 0 : index
      %swap3A_59 = arith.constant 0 : index
      %swap3A_60 = vector.load %arg5[%swap3A_58, %swap3A_59] : memref<1024x1xf32, #tpu.memory_space<vmem>>, vector<1024x1xf32>
      tpu.vector_store %arg5[%swap3A_58, %swap3A_59], %broadcast_in_dim3A_57 {strides = array<i32>} : memref<1024x1xf32, #tpu.memory_space<vmem>>, vector<1024x1xf32>,
      %broadcast_in_dim3A_61 = arith.constant 0 : i32
      %broadcast_in_dim3A_62 = vector.broadcast %broadcast_in_dim3A_61 : i32 to vector<1024x1xi32>
      %swap3A_63 = arith.constant 0 : index
      %swap3A_64 = arith.constant 0 : index
      %swap3A_65 = vector.load %arg6[%swap3A_63, %swap3A_64] : memref<1024x1xi32, #tpu.memory_space<vmem>>, vector<1024x1xi32>
      tpu.vector_store %arg6[%swap3A_63, %swap3A_64], %broadcast_in_dim3A_62 {strides = array<i32>} : memref<1024x1xi32, #tpu.memory_space<vmem>>, vector<1024x1xi32>,
    } else {
    }
    %get3A = arith.constant 0 : index
    %get3A_2 = arith.constant 0 : index
    %get3A_3 = vector.load %arg2[%get3A, %get3A_2] : memref<1024x256xf32, #tpu.memory_space<vmem>>, vector<1024x256xf32>
    %get3A_4 = arith.constant 0 : index
    %get3A_5 = arith.constant 0 : index
    %get3A_6 = vector.load %arg3[%get3A_4, %get3A_5] : memref<1024x256xf32, #tpu.memory_space<vmem>>, vector<1024x256xf32>
    %dot_general3A = arith.constant dense<0.000000e+00> : vector<1024x1024xf32>
    %dot_general3A_7 = tpu.matmul %get3A_3, %get3A_6, %dot_general3A {dimension_numbers = #tpu.dot_dimension_numbers<[1], [1], [0], [0], [0, 0, 1, 0], [], []>, transpose_lhs_hint = false} : vector<1024x256xf32>, vector<1024x256xf32>, vector<1024x1024xf32> -> vector<1024x1024xf32>
    %get3A_8 = arith.constant 0 : index
    %get3A_9 = arith.constant 0 : index
    %get3A_10 = vector.load %arg3[%get3A_8, %get3A_9] : memref<1024x256xf32, #tpu.memory_space<vmem>>, vector<1024x256xf32>
    %mul3A = arith.mulf %get3A_10, %get3A_10 : vector<1024x256xf32>
    %reduce_sum3A = arith.constant dense<0.000000e+00> : vector<1024xf32>
    %reduce_sum3A_11 = vector.multi_reduction <add>, %mul3A, %reduce_sum3A [1] : vector<1024x256xf32> to vector<1024xf32>
    %broadcast_in_dim3A = vector.shape_cast %reduce_sum3A_11 : vector<1024xf32> to vector<1x1024xf32>
    %get3A_12 = arith.constant 0 : index
    %get3A_13 = arith.constant 0 : index
    %get3A_14 = vector.load %arg1[%get3A_12, %get3A_13] : memref<1024x1xf32, #tpu.memory_space<vmem>>, vector<1024x1xf32>
    %mul3A_15 = arith.constant 2.000000e+00 : f32
    %mul3A_16 = vector.broadcast %mul3A_15 : f32 to vector<1024x1024xf32>
    %mul3A_17 = arith.mulf %mul3A_16, %dot_general3A_7 : vector<1024x1024xf32>
    %sub3A = vector.broadcast %get3A_14 : vector<1024x1xf32> to vector<1024x1024xf32>
    %sub3A_18 = arith.subf %sub3A, %mul3A_17 : vector<1024x1024xf32>
    %add3A = vector.broadcast %broadcast_in_dim3A : vector<1x1024xf32> to vector<1024x1024xf32>
    %add3A_19 = arith.addf %sub3A_18, %add3A : vector<1024x1024xf32>
    %max3A = arith.constant 0.000000e+00 : f32
    %max3A_20 = vector.broadcast %max3A : f32 to vector<1024x1024xf32>
    %max3A_21 = arith.maximumf %add3A_19, %max3A_20 : vector<1024x1024xf32>
    %rsqrt3A = math.rsqrt %max3A_21 : vector<1024x1024xf32>
    %mul3A_22 = arith.mulf %max3A_21, %rsqrt3A : vector<1024x1024xf32>
    %reduce_min3A = arith.constant dense<0x7F800000> : vector<1024xf32>
    %reduce_min3A_23 = vector.multi_reduction <minimumf>, %mul3A_22, %reduce_min3A [1] : vector<1024x1024xf32> to vector<1024xf32>
    %broadcast_in_dim3A_24 = vector.shape_cast %reduce_min3A_23 : vector<1024xf32> to vector<1024x1xf32>
    %iota3A = tpu.iota {dimensions = array<i32: 1>} : vector<1024x1024xi32>
    %eq3A_25 = vector.broadcast %broadcast_in_dim3A_24 : vector<1024x1xf32> to vector<1024x1024xf32>
    %eq3A_26 = arith.cmpf oeq, %mul3A_22, %eq3A_25 : vector<1024x1024xf32>
    %jit3A = arith.constant 1024 : i32
    %broadcast_in_dim3A_27 = vector.broadcast %jit3A : i32 to vector<1024x1024xi32>
    %select_n3A = arith.select %eq3A_26, %iota3A, %broadcast_in_dim3A_27 : vector<1024x1024xi1>, vector<1024x1024xi32>
    %reduce_min3A_28 = arith.constant dense<2147483647> : vector<1024xi32>
    %reduce_min3A_29 = vector.multi_reduction <minsi>, %select_n3A, %reduce_min3A_28 [1] : vector<1024x1024xi32> to vector<1024xi32>
    %broadcast_in_dim3A_30 = vector.shape_cast %reduce_min3A_29 : vector<1024xi32> to vector<1024x1xi32>
    %mul3A_31 = arith.constant 1024 : i32
    %mul3A_32 = arith.muli %arg0, %mul3A_31 : i32
    %add3A_33 = vector.broadcast %mul3A_32 : i32 to vector<1024x1xi32>
    %add3A_34 = arith.addi %broadcast_in_dim3A_30, %add3A_33 : vector<1024x1xi32>
    %get3A_35 = arith.constant 0 : index
    %get3A_36 = arith.constant 0 : index
    %get3A_37 = vector.load %arg5[%get3A_35, %get3A_36] : memref<1024x1xf32, #tpu.memory_space<vmem>>, vector<1024x1xf32>
    %lt3A = arith.cmpf olt, %broadcast_in_dim3A_24, %get3A_37 : vector<1024x1xf32>
    %get3A_38 = arith.constant 0 : index
    %get3A_39 = arith.constant 0 : index
    %get3A_40 = vector.load %arg6[%get3A_38, %get3A_39] : memref<1024x1xi32, #tpu.memory_space<vmem>>, vector<1024x1xi32>
    %select_n3A_41 = arith.select %lt3A, %add3A_34, %get3A_40 : vector<1024x1xi1>, vector<1024x1xi32>
    %swap3A = arith.constant 0 : index
    %swap3A_42 = arith.constant 0 : index
    %swap3A_43 = vector.load %arg6[%swap3A, %swap3A_42] : memref<1024x1xi32, #tpu.memory_space<vmem>>, vector<1024x1xi32>
    tpu.vector_store %arg6[%swap3A, %swap3A_42], %select_n3A_41 {strides = array<i32>} : memref<1024x1xi32, #tpu.memory_space<vmem>>, vector<1024x1xi32>,
    %get3A_44 = arith.constant 0 : index
    %get3A_45 = arith.constant 0 : index
    %get3A_46 = vector.load %arg5[%get3A_44, %get3A_45] : memref<1024x1xf32, #tpu.memory_space<vmem>>, vector<1024x1xf32>
    %select_n3A_47 = arith.select %lt3A, %broadcast_in_dim3A_24, %get3A_46 : vector<1024x1xi1>, vector<1024x1xf32>
    %swap3A_48 = arith.constant 0 : index
    %swap3A_49 = arith.constant 0 : index
    %swap3A_50 = vector.load %arg5[%swap3A_48, %swap3A_49] : memref<1024x1xf32, #tpu.memory_space<vmem>>, vector<1024x1xf32>
    tpu.vector_store %arg5[%swap3A_48, %swap3A_49], %select_n3A_47 {strides = array<i32>} : memref<1024x1xf32, #tpu.memory_space<vmem>>, vector<1024x1xf32>,
    %eq3A_51 = arith.constant 7 : i32
    %eq3A_52 = arith.cmpi eq, %arg0, %eq3A_51 : i32
    %convert_element_type3A_53 = arith.extui %eq3A_52 : i1 to i32
    %cond3A_54 = arith.constant 0 : i32
    %cond3A_55 = arith.cmpi ne, %convert_element_type3A_53, %cond3A_54 : i32
    scf.if %cond3A_55 {
      %get3A_56 = arith.constant 0 : index
      %get3A_57 = arith.constant 0 : index
      %get3A_58 = vector.load %arg6[%get3A_56, %get3A_57] : memref<1024x1xi32, #tpu.memory_space<vmem>>, vector<1024x1xi32>
      %swap3A_59 = arith.constant 0 : index
      %swap3A_60 = arith.constant 0 : index
      %swap3A_61 = vector.load %arg4[%swap3A_59, %swap3A_60] : memref<1024x1xi32, #tpu.memory_space<vmem>>, vector<1024x1xi32>
      tpu.vector_store %arg4[%swap3A_59, %swap3A_60], %get3A_58 {strides = array<i32>} : memref<1024x1xi32, #tpu.memory_space<vmem>>, vector<1024x1xi32>,
    } else {
    }
    return
  }
  func.func @transform_0(%arg0: i32) -> (i32, i32) {
    %c0_i32 = arith.constant 0 : i32
    %c0_i32_0 = arith.constant 0 : i32
    %c0_i32_1 = arith.constant 0 : i32
    return %c0_i32, %c0_i32_0 : i32, i32
  }
  func.func @transform_1(%arg0: i32) -> (i32, i32) {
    %c0_i32 = arith.constant 0 : i32
    %c0_i32_0 = arith.constant 0 : i32
    %c0_i32_1 = arith.constant 0 : i32
    return %c0_i32, %c0_i32_0 : i32, i32
  }
  func.func @transform_2(%arg0: i32) -> (i32, i32) {
    %c0_i32 = arith.constant 0 : i32
    %c0_i32_0 = arith.constant 0 : i32
    return %arg0, %c0_i32 : i32, i32
  }
  func.func @transform_3(%arg0: i32) -> (i32, i32) {
    %c0_i32 = arith.constant 0 : i32
    %c0_i32_0 = arith.constant 0 : i32
    %c0_i32_1 = arith.constant 0 : i32
    return %c0_i32, %c0_i32_0 : i32, i32
  }
}

module attributes {stable_mosaic.version = 14 : i64} {
  func.func @_gru_body(%arg0: memref<1024x256xf32, #tpu.memory_space<vmem>>, %arg1: memref<16x64x256xf32, #tpu.memory_space<vmem>>, %arg2: memref<768x256xf32, #tpu.memory_space<vmem>>, %arg3: memref<768x256xf32, #tpu.memory_space<vmem>>, %arg4: memref<1x768xf32, #tpu.memory_space<vmem>>, %arg5: memref<1x768xf32, #tpu.memory_space<vmem>>, %arg6: memref<256x256xf32, #tpu.memory_space<vmem>>, %arg7: memref<1x256xf32, #tpu.memory_space<vmem>>, %arg8: memref<1x1xf32, #tpu.memory_space<vmem>>, %arg9: memref<1x1xf32, #tpu.memory_space<vmem>>, %arg10: memref<1x1xf32, #tpu.memory_space<vmem>>, %arg11: memref<16x64x256xf32, #tpu.memory_space<vmem>>, %arg12: memref<64x16x768xf32, #tpu.memory_space<vmem>>, %arg13: memref<64x16x256xf32, #tpu.memory_space<vmem>>) attributes {dimension_semantics = [], scalar_prefetch = 0 : i64, scratch_operands = 2 : i64, tpu.core_type = #tpu.core_type<tc>} {
    %get3A = arith.constant 0 : index
    %get3A_0 = arith.constant 0 : index
    %get3A_1 = vector.load %arg0[%get3A, %get3A_0] : memref<1024x256xf32, #tpu.memory_space<vmem>>, vector<1024x256xf32>
    %reshape3A = vector.shape_cast %get3A_1 : vector<1024x256xf32> to vector<64x16x256xf32>
    %transpose3A = tpu.transpose %reshape3A, [1, 0, 2] : vector<64x16x256xf32> -> vector<16x64x256xf32>
    %swap3A = arith.constant 0 : index
    %swap3A_2 = arith.constant 0 : index
    %swap3A_3 = arith.constant 0 : index
    %swap3A_4 = vector.load %arg11[%swap3A, %swap3A_2, %swap3A_3] : memref<16x64x256xf32, #tpu.memory_space<vmem>>, vector<16x64x256xf32>
    tpu.vector_store %arg11[%swap3A, %swap3A_2, %swap3A_3], %transpose3A {strides = array<i32>} : memref<16x64x256xf32, #tpu.memory_space<vmem>>, vector<16x64x256xf32>,
    %convert_element_type3A = arith.truncf %get3A_1 : vector<1024x256xf32> to vector<1024x256xbf16>
    %get3A_5 = arith.constant 0 : index
    %get3A_6 = arith.constant 0 : index
    %get3A_7 = vector.load %arg2[%get3A_5, %get3A_6] : memref<768x256xf32, #tpu.memory_space<vmem>>, vector<768x256xf32>
    %convert_element_type3A_8 = arith.truncf %get3A_7 : vector<768x256xf32> to vector<768x256xbf16>
    %dot_general3A = arith.constant dense<0.000000e+00> : vector<1024x768xf32>
    %dot_general3A_9 = tpu.matmul %convert_element_type3A, %convert_element_type3A_8, %dot_general3A {dimension_numbers = #tpu.dot_dimension_numbers<[1], [1], [0], [0], [0, 0, 1, 0], [], []>, transpose_lhs_hint = false} : vector<1024x256xbf16>, vector<768x256xbf16>, vector<1024x768xf32> -> vector<1024x768xf32>
    %get3A_10 = arith.constant 0 : index
    %get3A_11 = arith.constant 0 : index
    %get3A_12 = vector.load %arg4[%get3A_10, %get3A_11] : memref<1x768xf32, #tpu.memory_space<vmem>>, vector<1x768xf32>
    %add3A = vector.broadcast %get3A_12 : vector<1x768xf32> to vector<1024x768xf32>
    %add3A_13 = arith.addf %dot_general3A_9, %add3A : vector<1024x768xf32>
    %reshape3A_14 = vector.shape_cast %add3A_13 : vector<1024x768xf32> to vector<64x16x768xf32>
    %swap3A_15 = arith.constant 0 : index
    %swap3A_16 = arith.constant 0 : index
    %swap3A_17 = arith.constant 0 : index
    %swap3A_18 = vector.load %arg12[%swap3A_15, %swap3A_16, %swap3A_17] : memref<64x16x768xf32, #tpu.memory_space<vmem>>, vector<64x16x768xf32>
    tpu.vector_store %arg12[%swap3A_15, %swap3A_16, %swap3A_17], %reshape3A_14 {strides = array<i32>} : memref<64x16x768xf32, #tpu.memory_space<vmem>>, vector<64x16x768xf32>,
    %get3A_19 = arith.constant 0 : index
    %get3A_20 = arith.constant 0 : index
    %get3A_21 = vector.load %arg3[%get3A_19, %get3A_20] : memref<768x256xf32, #tpu.memory_space<vmem>>, vector<768x256xf32>
    %convert_element_type3A_22 = arith.truncf %get3A_21 : vector<768x256xf32> to vector<768x256xbf16>
    %get3A_23 = arith.constant 0 : index
    %get3A_24 = arith.constant 0 : index
    %get3A_25 = vector.load %arg5[%get3A_23, %get3A_24] : memref<1x768xf32, #tpu.memory_space<vmem>>, vector<1x768xf32>
    %broadcast_in_dim3A = arith.constant 0.000000e+00 : f32
    %broadcast_in_dim3A_26 = vector.broadcast %broadcast_in_dim3A : f32 to vector<16x256xf32>
    %scan3A = arith.constant 0 : i32
    %scan3A_27 = arith.constant 16 : i32
    %scan3A_28 = arith.addi %scan3A, %scan3A_27 : i32
    %scan3A_29 = arith.constant 1 : i32
    %scan3A_30 = scf.for %scan3A_210 = %scan3A to %scan3A_28 step %scan3A_29 iter_args(%scan3A_211 = %broadcast_in_dim3A_26) -> (vector<16x256xf32>)  : i32 {
      %mul3A_212 = arith.constant 4 : i32
      %mul3A_213 = arith.muli %mul3A_212, %scan3A_210 : i32
      %add3A_214 = arith.constant 1 : i32
      %add3A_215 = arith.addi %mul3A_213, %add3A_214 : i32
      %mul3A_216 = arith.constant 4 : i32
      %mul3A_217 = arith.muli %mul3A_216, %scan3A_210 : i32
      %get3A_218 = arith.index_cast %mul3A_217 : i32 to index
      %get3A_219 = arith.constant 0 : index
      %get3A_220 = arith.constant 0 : index
      %get3A_221 = vector.load %arg12[%get3A_218, %get3A_219, %get3A_220] : memref<64x16x768xf32, #tpu.memory_space<vmem>>, vector<1x16x768xf32>
      %get3A_222 = vector.shape_cast %get3A_221 : vector<1x16x768xf32> to vector<16x768xf32>
      %convert_element_type3A_223 = arith.truncf %scan3A_211 : vector<16x256xf32> to vector<16x256xbf16>
      %dot_general3A_224 = arith.constant dense<0.000000e+00> : vector<16x768xf32>
      %dot_general3A_225 = tpu.matmul %convert_element_type3A_223, %convert_element_type3A_22, %dot_general3A_224 {dimension_numbers = #tpu.dot_dimension_numbers<[1], [1], [0], [0], [0, 0, 1, 0], [], []>, transpose_lhs_hint = false} : vector<16x256xbf16>, vector<768x256xbf16>, vector<16x768xf32> -> vector<16x768xf32>
      %add3A_226 = vector.broadcast %get3A_25 : vector<1x768xf32> to vector<16x768xf32>
      %add3A_227 = arith.addf %dot_general3A_225, %add3A_226 : vector<16x768xf32>
      %slice3A_228 = vector.extract_strided_slice %get3A_222 {offsets = [0, 0], sizes = [16, 256], strides = [1, 1]} : vector<16x768xf32> to vector<16x256xf32>
      %slice3A_229 = vector.extract_strided_slice %add3A_227 {offsets = [0, 0], sizes = [16, 256], strides = [1, 1]} : vector<16x768xf32> to vector<16x256xf32>
      %add3A_230 = arith.addf %slice3A_228, %slice3A_229 : vector<16x256xf32>
      %logistic3A_231 = arith.negf %add3A_230 : vector<16x256xf32>
      %logistic3A_232 = math.exp %logistic3A_231 : vector<16x256xf32>
      %logistic3A_233 = arith.constant 1.000000e+00 : f32
      %logistic3A_234 = vector.broadcast %logistic3A_233 : f32 to vector<16x256xf32>
      %logistic3A_235 = arith.addf %logistic3A_234, %logistic3A_232 : vector<16x256xf32>
      %logistic3A_236 = arith.divf %logistic3A_234, %logistic3A_235 : vector<16x256xf32>
      %slice3A_237 = vector.extract_strided_slice %get3A_222 {offsets = [0, 256], sizes = [16, 256], strides = [1, 1]} : vector<16x768xf32> to vector<16x256xf32>
      %slice3A_238 = vector.extract_strided_slice %add3A_227 {offsets = [0, 256], sizes = [16, 256], strides = [1, 1]} : vector<16x768xf32> to vector<16x256xf32>
      %add3A_239 = arith.addf %slice3A_237, %slice3A_238 : vector<16x256xf32>
      %logistic3A_240 = arith.negf %add3A_239 : vector<16x256xf32>
      %logistic3A_241 = math.exp %logistic3A_240 : vector<16x256xf32>
      %logistic3A_242 = arith.constant 1.000000e+00 : f32
      %logistic3A_243 = vector.broadcast %logistic3A_242 : f32 to vector<16x256xf32>
      %logistic3A_244 = arith.addf %logistic3A_243, %logistic3A_241 : vector<16x256xf32>
      %logistic3A_245 = arith.divf %logistic3A_243, %logistic3A_244 : vector<16x256xf32>
      %slice3A_246 = vector.extract_strided_slice %get3A_222 {offsets = [0, 512], sizes = [16, 256], strides = [1, 1]} : vector<16x768xf32> to vector<16x256xf32>
      %slice3A_247 = vector.extract_strided_slice %add3A_227 {offsets = [0, 512], sizes = [16, 256], strides = [1, 1]} : vector<16x768xf32> to vector<16x256xf32>
      %mul3A_248 = arith.mulf %logistic3A_236, %slice3A_247 : vector<16x256xf32>
      %add3A_249 = arith.addf %slice3A_246, %mul3A_248 : vector<16x256xf32>
      %tanh3A = math.tanh %add3A_249 : vector<16x256xf32>
      %sub3A_250 = arith.constant 1.000000e+00 : f32
      %sub3A_251 = vector.broadcast %sub3A_250 : f32 to vector<16x256xf32>
      %sub3A_252 = arith.subf %sub3A_251, %logistic3A_245 : vector<16x256xf32>
      %mul3A_253 = arith.mulf %sub3A_252, %tanh3A : vector<16x256xf32>
      %mul3A_254 = arith.mulf %logistic3A_245, %scan3A_211 : vector<16x256xf32>
      %add3A_255 = arith.addf %mul3A_253, %mul3A_254 : vector<16x256xf32>
      %swap3A_256 = arith.index_cast %mul3A_217 : i32 to index
      %swap3A_257 = arith.constant 0 : index
      %swap3A_258 = arith.constant 0 : index
      %swap3A_259 = vector.load %arg13[%swap3A_256, %swap3A_257, %swap3A_258] : memref<64x16x256xf32, #tpu.memory_space<vmem>>, vector<1x16x256xf32>
      %swap3A_260 = vector.shape_cast %swap3A_259 : vector<1x16x256xf32> to vector<16x256xf32>
      %swap3A_261 = vector.shape_cast %add3A_255 : vector<16x256xf32> to vector<1x16x256xf32>
      tpu.vector_store %arg13[%swap3A_256, %swap3A_257, %swap3A_258], %swap3A_261 {strides = array<i32>} : memref<64x16x256xf32, #tpu.memory_space<vmem>>, vector<1x16x256xf32>,
      %get3A_262 = arith.index_cast %add3A_215 : i32 to index
      %get3A_263 = arith.constant 0 : index
      %get3A_264 = arith.constant 0 : index
      %get3A_265 = vector.load %arg12[%get3A_262, %get3A_263, %get3A_264] : memref<64x16x768xf32, #tpu.memory_space<vmem>>, vector<1x16x768xf32>
      %get3A_266 = vector.shape_cast %get3A_265 : vector<1x16x768xf32> to vector<16x768xf32>
      %convert_element_type3A_267 = arith.truncf %add3A_255 : vector<16x256xf32> to vector<16x256xbf16>
      %dot_general3A_268 = arith.constant dense<0.000000e+00> : vector<16x768xf32>
      %dot_general3A_269 = tpu.matmul %convert_element_type3A_267, %convert_element_type3A_22, %dot_general3A_268 {dimension_numbers = #tpu.dot_dimension_numbers<[1], [1], [0], [0], [0, 0, 1, 0], [], []>, transpose_lhs_hint = false} : vector<16x256xbf16>, vector<768x256xbf16>, vector<16x768xf32> -> vector<16x768xf32>
      %add3A_270 = vector.broadcast %get3A_25 : vector<1x768xf32> to vector<16x768xf32>
      %add3A_271 = arith.addf %dot_general3A_269, %add3A_270 : vector<16x768xf32>
      %slice3A_272 = vector.extract_strided_slice %get3A_266 {offsets = [0, 0], sizes = [16, 256], strides = [1, 1]} : vector<16x768xf32> to vector<16x256xf32>
      %slice3A_273 = vector.extract_strided_slice %add3A_271 {offsets = [0, 0], sizes = [16, 256], strides = [1, 1]} : vector<16x768xf32> to vector<16x256xf32>
      %add3A_274 = arith.addf %slice3A_272, %slice3A_273 : vector<16x256xf32>
      %logistic3A_275 = arith.negf %add3A_274 : vector<16x256xf32>
      %logistic3A_276 = math.exp %logistic3A_275 : vector<16x256xf32>
      %logistic3A_277 = arith.constant 1.000000e+00 : f32
      %logistic3A_278 = vector.broadcast %logistic3A_277 : f32 to vector<16x256xf32>
      %logistic3A_279 = arith.addf %logistic3A_278, %logistic3A_276 : vector<16x256xf32>
      %logistic3A_280 = arith.divf %logistic3A_278, %logistic3A_279 : vector<16x256xf32>
      %slice3A_281 = vector.extract_strided_slice %get3A_266 {offsets = [0, 256], sizes = [16, 256], strides = [1, 1]} : vector<16x768xf32> to vector<16x256xf32>
      %slice3A_282 = vector.extract_strided_slice %add3A_271 {offsets = [0, 256], sizes = [16, 256], strides = [1, 1]} : vector<16x768xf32> to vector<16x256xf32>
      %add3A_283 = arith.addf %slice3A_281, %slice3A_282 : vector<16x256xf32>
      %logistic3A_284 = arith.negf %add3A_283 : vector<16x256xf32>
      %logistic3A_285 = math.exp %logistic3A_284 : vector<16x256xf32>
      %logistic3A_286 = arith.constant 1.000000e+00 : f32
      %logistic3A_287 = vector.broadcast %logistic3A_286 : f32 to vector<16x256xf32>
      %logistic3A_288 = arith.addf %logistic3A_287, %logistic3A_285 : vector<16x256xf32>
      %logistic3A_289 = arith.divf %logistic3A_287, %logistic3A_288 : vector<16x256xf32>
      %slice3A_290 = vector.extract_strided_slice %get3A_266 {offsets = [0, 512], sizes = [16, 256], strides = [1, 1]} : vector<16x768xf32> to vector<16x256xf32>
      %slice3A_291 = vector.extract_strided_slice %add3A_271 {offsets = [0, 512], sizes = [16, 256], strides = [1, 1]} : vector<16x768xf32> to vector<16x256xf32>
      %mul3A_292 = arith.mulf %logistic3A_280, %slice3A_291 : vector<16x256xf32>
      %add3A_293 = arith.addf %slice3A_290, %mul3A_292 : vector<16x256xf32>
      %tanh3A_294 = math.tanh %add3A_293 : vector<16x256xf32>
      %sub3A_295 = arith.constant 1.000000e+00 : f32
      %sub3A_296 = vector.broadcast %sub3A_295 : f32 to vector<16x256xf32>
      %sub3A_297 = arith.subf %sub3A_296, %logistic3A_289 : vector<16x256xf32>
      %mul3A_298 = arith.mulf %sub3A_297, %tanh3A_294 : vector<16x256xf32>
      %mul3A_299 = arith.mulf %logistic3A_289, %add3A_255 : vector<16x256xf32>
      %add3A_300 = arith.addf %mul3A_298, %mul3A_299 : vector<16x256xf32>
      %swap3A_301 = arith.index_cast %add3A_215 : i32 to index
      %swap3A_302 = arith.constant 0 : index
      %swap3A_303 = arith.constant 0 : index
      %swap3A_304 = vector.load %arg13[%swap3A_301, %swap3A_302, %swap3A_303] : memref<64x16x256xf32, #tpu.memory_space<vmem>>, vector<1x16x256xf32>
      %swap3A_305 = vector.shape_cast %swap3A_304 : vector<1x16x256xf32> to vector<16x256xf32>
      %swap3A_306 = vector.shape_cast %add3A_300 : vector<16x256xf32> to vector<1x16x256xf32>
      tpu.vector_store %arg13[%swap3A_301, %swap3A_302, %swap3A_303], %swap3A_306 {strides = array<i32>} : memref<64x16x256xf32, #tpu.memory_space<vmem>>, vector<1x16x256xf32>,
      %mul3A_307 = arith.constant 4 : i32
      %mul3A_308 = arith.muli %mul3A_307, %scan3A_210 : i32
      %add3A_309 = arith.constant 3 : i32
      %add3A_310 = arith.addi %mul3A_308, %add3A_309 : i32
      %mul3A_311 = arith.constant 4 : i32
      %mul3A_312 = arith.muli %mul3A_311, %scan3A_210 : i32
      %add3A_313 = arith.constant 2 : i32
      %add3A_314 = arith.addi %mul3A_312, %add3A_313 : i32
      %get3A_315 = arith.index_cast %add3A_314 : i32 to index
      %get3A_316 = arith.constant 0 : index
      %get3A_317 = arith.constant 0 : index
      %get3A_318 = vector.load %arg12[%get3A_315, %get3A_316, %get3A_317] : memref<64x16x768xf32, #tpu.memory_space<vmem>>, vector<1x16x768xf32>
      %get3A_319 = vector.shape_cast %get3A_318 : vector<1x16x768xf32> to vector<16x768xf32>
      %convert_element_type3A_320 = arith.truncf %add3A_300 : vector<16x256xf32> to vector<16x256xbf16>
      %dot_general3A_321 = arith.constant dense<0.000000e+00> : vector<16x768xf32>
      %dot_general3A_322 = tpu.matmul %convert_element_type3A_320, %convert_element_type3A_22, %dot_general3A_321 {dimension_numbers = #tpu.dot_dimension_numbers<[1], [1], [0], [0], [0, 0, 1, 0], [], []>, transpose_lhs_hint = false} : vector<16x256xbf16>, vector<768x256xbf16>, vector<16x768xf32> -> vector<16x768xf32>
      %add3A_323 = vector.broadcast %get3A_25 : vector<1x768xf32> to vector<16x768xf32>
      %add3A_324 = arith.addf %dot_general3A_322, %add3A_323 : vector<16x768xf32>
      %slice3A_325 = vector.extract_strided_slice %get3A_319 {offsets = [0, 0], sizes = [16, 256], strides = [1, 1]} : vector<16x768xf32> to vector<16x256xf32>
      %slice3A_326 = vector.extract_strided_slice %add3A_324 {offsets = [0, 0], sizes = [16, 256], strides = [1, 1]} : vector<16x768xf32> to vector<16x256xf32>
      %add3A_327 = arith.addf %slice3A_325, %slice3A_326 : vector<16x256xf32>
      %logistic3A_328 = arith.negf %add3A_327 : vector<16x256xf32>
      %logistic3A_329 = math.exp %logistic3A_328 : vector<16x256xf32>
      %logistic3A_330 = arith.constant 1.000000e+00 : f32
      %logistic3A_331 = vector.broadcast %logistic3A_330 : f32 to vector<16x256xf32>
      %logistic3A_332 = arith.addf %logistic3A_331, %logistic3A_329 : vector<16x256xf32>
      %logistic3A_333 = arith.divf %logistic3A_331, %logistic3A_332 : vector<16x256xf32>
      %slice3A_334 = vector.extract_strided_slice %get3A_319 {offsets = [0, 256], sizes = [16, 256], strides = [1, 1]} : vector<16x768xf32> to vector<16x256xf32>
      %slice3A_335 = vector.extract_strided_slice %add3A_324 {offsets = [0, 256], sizes = [16, 256], strides = [1, 1]} : vector<16x768xf32> to vector<16x256xf32>
      %add3A_336 = arith.addf %slice3A_334, %slice3A_335 : vector<16x256xf32>
      %logistic3A_337 = arith.negf %add3A_336 : vector<16x256xf32>
      %logistic3A_338 = math.exp %logistic3A_337 : vector<16x256xf32>
      %logistic3A_339 = arith.constant 1.000000e+00 : f32
      %logistic3A_340 = vector.broadcast %logistic3A_339 : f32 to vector<16x256xf32>
      %logistic3A_341 = arith.addf %logistic3A_340, %logistic3A_338 : vector<16x256xf32>
      %logistic3A_342 = arith.divf %logistic3A_340, %logistic3A_341 : vector<16x256xf32>
      %slice3A_343 = vector.extract_strided_slice %get3A_319 {offsets = [0, 512], sizes = [16, 256], strides = [1, 1]} : vector<16x768xf32> to vector<16x256xf32>
      %slice3A_344 = vector.extract_strided_slice %add3A_324 {offsets = [0, 512], sizes = [16, 256], strides = [1, 1]} : vector<16x768xf32> to vector<16x256xf32>
      %mul3A_345 = arith.mulf %logistic3A_333, %slice3A_344 : vector<16x256xf32>
      %add3A_346 = arith.addf %slice3A_343, %mul3A_345 : vector<16x256xf32>
      %tanh3A_347 = math.tanh %add3A_346 : vector<16x256xf32>
      %sub3A_348 = arith.constant 1.000000e+00 : f32
      %sub3A_349 = vector.broadcast %sub3A_348 : f32 to vector<16x256xf32>
      %sub3A_350 = arith.subf %sub3A_349, %logistic3A_342 : vector<16x256xf32>
      %mul3A_351 = arith.mulf %sub3A_350, %tanh3A_347 : vector<16x256xf32>
      %mul3A_352 = arith.mulf %logistic3A_342, %add3A_300 : vector<16x256xf32>
      %add3A_353 = arith.addf %mul3A_351, %mul3A_352 : vector<16x256xf32>
      %swap3A_354 = arith.index_cast %add3A_314 : i32 to index
      %swap3A_355 = arith.constant 0 : index
      %swap3A_356 = arith.constant 0 : index
      %swap3A_357 = vector.load %arg13[%swap3A_354, %swap3A_355, %swap3A_356] : memref<64x16x256xf32, #tpu.memory_space<vmem>>, vector<1x16x256xf32>
      %swap3A_358 = vector.shape_cast %swap3A_357 : vector<1x16x256xf32> to vector<16x256xf32>
      %swap3A_359 = vector.shape_cast %add3A_353 : vector<16x256xf32> to vector<1x16x256xf32>
      tpu.vector_store %arg13[%swap3A_354, %swap3A_355, %swap3A_356], %swap3A_359 {strides = array<i32>} : memref<64x16x256xf32, #tpu.memory_space<vmem>>, vector<1x16x256xf32>,
      %get3A_360 = arith.index_cast %add3A_310 : i32 to index
      %get3A_361 = arith.constant 0 : index
      %get3A_362 = arith.constant 0 : index
      %get3A_363 = vector.load %arg12[%get3A_360, %get3A_361, %get3A_362] : memref<64x16x768xf32, #tpu.memory_space<vmem>>, vector<1x16x768xf32>
      %get3A_364 = vector.shape_cast %get3A_363 : vector<1x16x768xf32> to vector<16x768xf32>
      %convert_element_type3A_365 = arith.truncf %add3A_353 : vector<16x256xf32> to vector<16x256xbf16>
      %dot_general3A_366 = arith.constant dense<0.000000e+00> : vector<16x768xf32>
      %dot_general3A_367 = tpu.matmul %convert_element_type3A_365, %convert_element_type3A_22, %dot_general3A_366 {dimension_numbers = #tpu.dot_dimension_numbers<[1], [1], [0], [0], [0, 0, 1, 0], [], []>, transpose_lhs_hint = false} : vector<16x256xbf16>, vector<768x256xbf16>, vector<16x768xf32> -> vector<16x768xf32>
      %add3A_368 = vector.broadcast %get3A_25 : vector<1x768xf32> to vector<16x768xf32>
      %add3A_369 = arith.addf %dot_general3A_367, %add3A_368 : vector<16x768xf32>
      %slice3A_370 = vector.extract_strided_slice %get3A_364 {offsets = [0, 0], sizes = [16, 256], strides = [1, 1]} : vector<16x768xf32> to vector<16x256xf32>
      %slice3A_371 = vector.extract_strided_slice %add3A_369 {offsets = [0, 0], sizes = [16, 256], strides = [1, 1]} : vector<16x768xf32> to vector<16x256xf32>
      %add3A_372 = arith.addf %slice3A_370, %slice3A_371 : vector<16x256xf32>
      %logistic3A_373 = arith.negf %add3A_372 : vector<16x256xf32>
      %logistic3A_374 = math.exp %logistic3A_373 : vector<16x256xf32>
      %logistic3A_375 = arith.constant 1.000000e+00 : f32
      %logistic3A_376 = vector.broadcast %logistic3A_375 : f32 to vector<16x256xf32>
      %logistic3A_377 = arith.addf %logistic3A_376, %logistic3A_374 : vector<16x256xf32>
      %logistic3A_378 = arith.divf %logistic3A_376, %logistic3A_377 : vector<16x256xf32>
      %slice3A_379 = vector.extract_strided_slice %get3A_364 {offsets = [0, 256], sizes = [16, 256], strides = [1, 1]} : vector<16x768xf32> to vector<16x256xf32>
      %slice3A_380 = vector.extract_strided_slice %add3A_369 {offsets = [0, 256], sizes = [16, 256], strides = [1, 1]} : vector<16x768xf32> to vector<16x256xf32>
      %add3A_381 = arith.addf %slice3A_379, %slice3A_380 : vector<16x256xf32>
      %logistic3A_382 = arith.negf %add3A_381 : vector<16x256xf32>
      %logistic3A_383 = math.exp %logistic3A_382 : vector<16x256xf32>
      %logistic3A_384 = arith.constant 1.000000e+00 : f32
      %logistic3A_385 = vector.broadcast %logistic3A_384 : f32 to vector<16x256xf32>
      %logistic3A_386 = arith.addf %logistic3A_385, %logistic3A_383 : vector<16x256xf32>
      %logistic3A_387 = arith.divf %logistic3A_385, %logistic3A_386 : vector<16x256xf32>
      %slice3A_388 = vector.extract_strided_slice %get3A_364 {offsets = [0, 512], sizes = [16, 256], strides = [1, 1]} : vector<16x768xf32> to vector<16x256xf32>
      %slice3A_389 = vector.extract_strided_slice %add3A_369 {offsets = [0, 512], sizes = [16, 256], strides = [1, 1]} : vector<16x768xf32> to vector<16x256xf32>
      %mul3A_390 = arith.mulf %logistic3A_378, %slice3A_389 : vector<16x256xf32>
      %add3A_391 = arith.addf %slice3A_388, %mul3A_390 : vector<16x256xf32>
      %tanh3A_392 = math.tanh %add3A_391 : vector<16x256xf32>
      %sub3A_393 = arith.constant 1.000000e+00 : f32
      %sub3A_394 = vector.broadcast %sub3A_393 : f32 to vector<16x256xf32>
      %sub3A_395 = arith.subf %sub3A_394, %logistic3A_387 : vector<16x256xf32>
      %mul3A_396 = arith.mulf %sub3A_395, %tanh3A_392 : vector<16x256xf32>
      %mul3A_397 = arith.mulf %logistic3A_387, %add3A_353 : vector<16x256xf32>
      %add3A_398 = arith.addf %mul3A_396, %mul3A_397 : vector<16x256xf32>
      %swap3A_399 = arith.index_cast %add3A_310 : i32 to index
      %swap3A_400 = arith.constant 0 : index
      %swap3A_401 = arith.constant 0 : index
      %swap3A_402 = vector.load %arg13[%swap3A_399, %swap3A_400, %swap3A_401] : memref<64x16x256xf32, #tpu.memory_space<vmem>>, vector<1x16x256xf32>
      %swap3A_403 = vector.shape_cast %swap3A_402 : vector<1x16x256xf32> to vector<16x256xf32>
      %swap3A_404 = vector.shape_cast %add3A_398 : vector<16x256xf32> to vector<1x16x256xf32>
      tpu.vector_store %arg13[%swap3A_399, %swap3A_400, %swap3A_401], %swap3A_404 {strides = array<i32>} : memref<64x16x256xf32, #tpu.memory_space<vmem>>, vector<1x16x256xf32>,
      scf.yield %add3A_398 : vector<16x256xf32>
    }
    %scan3A_31 = arith.constant 16 : i32
    %get3A_32 = arith.constant 0 : index
    %get3A_33 = arith.constant 0 : index
    %get3A_34 = arith.constant 0 : index
    %get3A_35 = vector.load %arg13[%get3A_32, %get3A_33, %get3A_34] : memref<64x16x256xf32, #tpu.memory_space<vmem>>, vector<64x16x256xf32>
    %reshape3A_36 = vector.shape_cast %get3A_35 : vector<64x16x256xf32> to vector<1024x256xf32>
    %convert_element_type3A_37 = arith.truncf %reshape3A_36 : vector<1024x256xf32> to vector<1024x256xbf16>
    %get3A_38 = arith.constant 0 : index
    %get3A_39 = arith.constant 0 : index
    %get3A_40 = vector.load %arg6[%get3A_38, %get3A_39] : memref<256x256xf32, #tpu.memory_space<vmem>>, vector<256x256xf32>
    %convert_element_type3A_41 = arith.truncf %get3A_40 : vector<256x256xf32> to vector<256x256xbf16>
    %dot_general3A_42 = arith.constant dense<0.000000e+00> : vector<1024x256xf32>
    %dot_general3A_43 = tpu.matmul %convert_element_type3A_37, %convert_element_type3A_41, %dot_general3A_42 {dimension_numbers = #tpu.dot_dimension_numbers<[1], [1], [0], [0], [0, 0, 1, 0], [], []>, transpose_lhs_hint = false} : vector<1024x256xbf16>, vector<256x256xbf16>, vector<1024x256xf32> -> vector<1024x256xf32>
    %get3A_44 = arith.constant 0 : index
    %get3A_45 = arith.constant 0 : index
    %get3A_46 = vector.load %arg7[%get3A_44, %get3A_45] : memref<1x256xf32, #tpu.memory_space<vmem>>, vector<1x256xf32>
    %add3A_47 = vector.broadcast %get3A_46 : vector<1x256xf32> to vector<1024x256xf32>
    %add3A_48 = arith.addf %dot_general3A_43, %add3A_47 : vector<1024x256xf32>
    %get3A_49 = arith.constant 0 : index
    %get3A_50 = arith.constant 0 : index
    %get3A_51 = arith.constant 0 : index
    %get3A_52 = vector.load %arg1[%get3A_49, %get3A_50, %get3A_51] : memref<16x64x256xf32, #tpu.memory_space<vmem>>, vector<16x64x256xf32>
    %transpose3A_53 = tpu.transpose %get3A_52, [1, 0, 2] : vector<16x64x256xf32> -> vector<64x16x256xf32>
    %reshape3A_54 = vector.shape_cast %transpose3A_53 : vector<64x16x256xf32> to vector<1024x256xf32>
    %slice3A = vector.extract_strided_slice %transpose3A_53 {offsets = [0, 15, 0], sizes = [64, 1, 256], strides = [1, 1, 1]} : vector<64x16x256xf32> to vector<64x1x256xf32>
    %slice3A_55 = vector.extract_strided_slice %transpose3A_53 {offsets = [0, 0, 0], sizes = [64, 15, 256], strides = [1, 1, 1]} : vector<64x16x256xf32> to vector<64x15x256xf32>
    %concatenate3A = tpu.concatenate %slice3A, %slice3A_55 in 1 : vector<64x1x256xf32>, vector<64x15x256xf32> -> vector<64x16x256xf32>
    %reshape3A_56 = vector.shape_cast %concatenate3A : vector<64x16x256xf32> to vector<1024x256xf32>
    %slice3A_57 = vector.extract_strided_slice %add3A_48 {offsets = [0, 0], sizes = [1008, 256], strides = [1, 1]} : vector<1024x256xf32> to vector<1008x256xf32>
    %slice3A_58 = vector.extract_strided_slice %reshape3A_54 {offsets = [16, 0], sizes = [1008, 256], strides = [1, 1]} : vector<1024x256xf32> to vector<1008x256xf32>
    %mul3A = arith.mulf %slice3A_57, %slice3A_58 : vector<1008x256xf32>
    %reduce_sum3A = arith.constant dense<0.000000e+00> : vector<1008xf32>
    %reduce_sum3A_59 = vector.multi_reduction <add>, %mul3A, %reduce_sum3A [1] : vector<1008x256xf32> to vector<1008xf32>
    %broadcast_in_dim3A_60 = vector.shape_cast %reduce_sum3A_59 : vector<1008xf32> to vector<1008x1xf32>
    %slice3A_61 = vector.extract_strided_slice %add3A_48 {offsets = [0, 0], sizes = [1008, 256], strides = [1, 1]} : vector<1024x256xf32> to vector<1008x256xf32>
    %slice3A_62 = vector.extract_strided_slice %reshape3A_56 {offsets = [16, 0], sizes = [1008, 256], strides = [1, 1]} : vector<1024x256xf32> to vector<1008x256xf32>
    %mul3A_63 = arith.mulf %slice3A_61, %slice3A_62 : vector<1008x256xf32>
    %reduce_sum3A_64 = arith.constant dense<0.000000e+00> : vector<1008xf32>
    %reduce_sum3A_65 = vector.multi_reduction <add>, %mul3A_63, %reduce_sum3A_64 [1] : vector<1008x256xf32> to vector<1008xf32>
    %broadcast_in_dim3A_66 = vector.shape_cast %reduce_sum3A_65 : vector<1008xf32> to vector<1008x1xf32>
    %logistic3A = arith.negf %broadcast_in_dim3A_60 : vector<1008x1xf32>
    %logistic3A_67 = math.exp %logistic3A : vector<1008x1xf32>
    %logistic3A_68 = arith.constant 1.000000e+00 : f32
    %logistic3A_69 = vector.broadcast %logistic3A_68 : f32 to vector<1008x1xf32>
    %logistic3A_70 = arith.addf %logistic3A_69, %logistic3A_67 : vector<1008x1xf32>
    %logistic3A_71 = arith.divf %logistic3A_69, %logistic3A_70 : vector<1008x1xf32>
    %log3A = math.log %logistic3A_71 : vector<1008x1xf32>
    %neg3A = arith.constant 0.000000e+00 : f32
    %neg3A_72 = vector.broadcast %neg3A : f32 to vector<1008x1xf32>
    %neg3A_73 = arith.subf %neg3A_72, %log3A : vector<1008x1xf32>
    %logistic3A_74 = arith.negf %broadcast_in_dim3A_66 : vector<1008x1xf32>
    %logistic3A_75 = math.exp %logistic3A_74 : vector<1008x1xf32>
    %logistic3A_76 = arith.constant 1.000000e+00 : f32
    %logistic3A_77 = vector.broadcast %logistic3A_76 : f32 to vector<1008x1xf32>
    %logistic3A_78 = arith.addf %logistic3A_77, %logistic3A_75 : vector<1008x1xf32>
    %logistic3A_79 = arith.divf %logistic3A_77, %logistic3A_78 : vector<1008x1xf32>
    %sub3A = arith.constant 1.000000e+00 : f32
    %sub3A_80 = vector.broadcast %sub3A : f32 to vector<1008x1xf32>
    %sub3A_81 = arith.subf %sub3A_80, %logistic3A_79 : vector<1008x1xf32>
    %log3A_82 = math.log %sub3A_81 : vector<1008x1xf32>
    %mul3A_83 = arith.constant 2.500000e-01 : f32
    %mul3A_84 = vector.broadcast %mul3A_83 : f32 to vector<1008x1xf32>
    %mul3A_85 = arith.mulf %mul3A_84, %log3A_82 : vector<1008x1xf32>
    %sub3A_86 = arith.subf %neg3A_73, %mul3A_85 : vector<1008x1xf32>
    %reduce_sum3A_87 = vector.shape_cast %sub3A_86 : vector<1008x1xf32> to vector<1x1008x1xf32>
    %reduce_sum3A_88 = arith.constant dense<0.000000e+00> : vector<1xf32>
    %reduce_sum3A_89 = vector.multi_reduction <add>, %reduce_sum3A_87, %reduce_sum3A_88 [1, 2] : vector<1x1008x1xf32> to vector<1xf32>
    %reduce_sum3A_90 = vector.shape_cast %reduce_sum3A_89 : vector<1xf32> to vector<1x1x1xf32>
    %reduce_sum3A_91 = vector.extract %reduce_sum3A_90[0, 0, 0] : f32 from vector<1x1x1xf32>
    %div3A = arith.constant 1.008000e+03 : f32
    %div3A_92 = arith.divf %reduce_sum3A_91, %div3A : f32
    %add3A_93 = arith.constant 0.000000e+00 : f32
    %add3A_94 = arith.addf %add3A_93, %div3A_92 : f32
    %slice3A_95 = vector.extract_strided_slice %add3A_48 {offsets = [0, 0], sizes = [992, 256], strides = [1, 1]} : vector<1024x256xf32> to vector<992x256xf32>
    %slice3A_96 = vector.extract_strided_slice %reshape3A_54 {offsets = [32, 0], sizes = [992, 256], strides = [1, 1]} : vector<1024x256xf32> to vector<992x256xf32>
    %mul3A_97 = arith.mulf %slice3A_95, %slice3A_96 : vector<992x256xf32>
    %reduce_sum3A_98 = arith.constant dense<0.000000e+00> : vector<992xf32>
    %reduce_sum3A_99 = vector.multi_reduction <add>, %mul3A_97, %reduce_sum3A_98 [1] : vector<992x256xf32> to vector<992xf32>
    %broadcast_in_dim3A_100 = vector.shape_cast %reduce_sum3A_99 : vector<992xf32> to vector<992x1xf32>
    %slice3A_101 = vector.extract_strided_slice %add3A_48 {offsets = [0, 0], sizes = [992, 256], strides = [1, 1]} : vector<1024x256xf32> to vector<992x256xf32>
    %slice3A_102 = vector.extract_strided_slice %reshape3A_56 {offsets = [32, 0], sizes = [992, 256], strides = [1, 1]} : vector<1024x256xf32> to vector<992x256xf32>
    %mul3A_103 = arith.mulf %slice3A_101, %slice3A_102 : vector<992x256xf32>
    %reduce_sum3A_104 = arith.constant dense<0.000000e+00> : vector<992xf32>
    %reduce_sum3A_105 = vector.multi_reduction <add>, %mul3A_103, %reduce_sum3A_104 [1] : vector<992x256xf32> to vector<992xf32>
    %broadcast_in_dim3A_106 = vector.shape_cast %reduce_sum3A_105 : vector<992xf32> to vector<992x1xf32>
    %logistic3A_107 = arith.negf %broadcast_in_dim3A_100 : vector<992x1xf32>
    %logistic3A_108 = math.exp %logistic3A_107 : vector<992x1xf32>
    %logistic3A_109 = arith.constant 1.000000e+00 : f32
    %logistic3A_110 = vector.broadcast %logistic3A_109 : f32 to vector<992x1xf32>
    %logistic3A_111 = arith.addf %logistic3A_110, %logistic3A_108 : vector<992x1xf32>
    %logistic3A_112 = arith.divf %logistic3A_110, %logistic3A_111 : vector<992x1xf32>
    %log3A_113 = math.log %logistic3A_112 : vector<992x1xf32>
    %neg3A_114 = arith.constant 0.000000e+00 : f32
    %neg3A_115 = vector.broadcast %neg3A_114 : f32 to vector<992x1xf32>
    %neg3A_116 = arith.subf %neg3A_115, %log3A_113 : vector<992x1xf32>
    %logistic3A_117 = arith.negf %broadcast_in_dim3A_106 : vector<992x1xf32>
    %logistic3A_118 = math.exp %logistic3A_117 : vector<992x1xf32>
    %logistic3A_119 = arith.constant 1.000000e+00 : f32
    %logistic3A_120 = vector.broadcast %logistic3A_119 : f32 to vector<992x1xf32>
    %logistic3A_121 = arith.addf %logistic3A_120, %logistic3A_118 : vector<992x1xf32>
    %logistic3A_122 = arith.divf %logistic3A_120, %logistic3A_121 : vector<992x1xf32>
    %sub3A_123 = arith.constant 1.000000e+00 : f32
    %sub3A_124 = vector.broadcast %sub3A_123 : f32 to vector<992x1xf32>
    %sub3A_125 = arith.subf %sub3A_124, %logistic3A_122 : vector<992x1xf32>
    %log3A_126 = math.log %sub3A_125 : vector<992x1xf32>
    %mul3A_127 = arith.constant 2.500000e-01 : f32
    %mul3A_128 = vector.broadcast %mul3A_127 : f32 to vector<992x1xf32>
    %mul3A_129 = arith.mulf %mul3A_128, %log3A_126 : vector<992x1xf32>
    %sub3A_130 = arith.subf %neg3A_116, %mul3A_129 : vector<992x1xf32>
    %reduce_sum3A_131 = vector.shape_cast %sub3A_130 : vector<992x1xf32> to vector<1x992x1xf32>
    %reduce_sum3A_132 = arith.constant dense<0.000000e+00> : vector<1xf32>
    %reduce_sum3A_133 = vector.multi_reduction <add>, %reduce_sum3A_131, %reduce_sum3A_132 [1, 2] : vector<1x992x1xf32> to vector<1xf32>
    %reduce_sum3A_134 = vector.shape_cast %reduce_sum3A_133 : vector<1xf32> to vector<1x1x1xf32>
    %reduce_sum3A_135 = vector.extract %reduce_sum3A_134[0, 0, 0] : f32 from vector<1x1x1xf32>
    %div3A_136 = arith.constant 9.920000e+02 : f32
    %div3A_137 = arith.divf %reduce_sum3A_135, %div3A_136 : f32
    %add3A_138 = arith.addf %add3A_94, %div3A_137 : f32
    %slice3A_139 = vector.extract_strided_slice %add3A_48 {offsets = [0, 0], sizes = [976, 256], strides = [1, 1]} : vector<1024x256xf32> to vector<976x256xf32>
    %slice3A_140 = vector.extract_strided_slice %reshape3A_54 {offsets = [48, 0], sizes = [976, 256], strides = [1, 1]} : vector<1024x256xf32> to vector<976x256xf32>
    %mul3A_141 = arith.mulf %slice3A_139, %slice3A_140 : vector<976x256xf32>
    %reduce_sum3A_142 = arith.constant dense<0.000000e+00> : vector<976xf32>
    %reduce_sum3A_143 = vector.multi_reduction <add>, %mul3A_141, %reduce_sum3A_142 [1] : vector<976x256xf32> to vector<976xf32>
    %broadcast_in_dim3A_144 = vector.shape_cast %reduce_sum3A_143 : vector<976xf32> to vector<976x1xf32>
    %slice3A_145 = vector.extract_strided_slice %add3A_48 {offsets = [0, 0], sizes = [976, 256], strides = [1, 1]} : vector<1024x256xf32> to vector<976x256xf32>
    %slice3A_146 = vector.extract_strided_slice %reshape3A_56 {offsets = [48, 0], sizes = [976, 256], strides = [1, 1]} : vector<1024x256xf32> to vector<976x256xf32>
    %mul3A_147 = arith.mulf %slice3A_145, %slice3A_146 : vector<976x256xf32>
    %reduce_sum3A_148 = arith.constant dense<0.000000e+00> : vector<976xf32>
    %reduce_sum3A_149 = vector.multi_reduction <add>, %mul3A_147, %reduce_sum3A_148 [1] : vector<976x256xf32> to vector<976xf32>
    %broadcast_in_dim3A_150 = vector.shape_cast %reduce_sum3A_149 : vector<976xf32> to vector<976x1xf32>
    %logistic3A_151 = arith.negf %broadcast_in_dim3A_144 : vector<976x1xf32>
    %logistic3A_152 = math.exp %logistic3A_151 : vector<976x1xf32>
    %logistic3A_153 = arith.constant 1.000000e+00 : f32
    %logistic3A_154 = vector.broadcast %logistic3A_153 : f32 to vector<976x1xf32>
    %logistic3A_155 = arith.addf %logistic3A_154, %logistic3A_152 : vector<976x1xf32>
    %logistic3A_156 = arith.divf %logistic3A_154, %logistic3A_155 : vector<976x1xf32>
    %log3A_157 = math.log %logistic3A_156 : vector<976x1xf32>
    %neg3A_158 = arith.constant 0.000000e+00 : f32
    %neg3A_159 = vector.broadcast %neg3A_158 : f32 to vector<976x1xf32>
    %neg3A_160 = arith.subf %neg3A_159, %log3A_157 : vector<976x1xf32>
    %logistic3A_161 = arith.negf %broadcast_in_dim3A_150 : vector<976x1xf32>
    %logistic3A_162 = math.exp %logistic3A_161 : vector<976x1xf32>
    %logistic3A_163 = arith.constant 1.000000e+00 : f32
    %logistic3A_164 = vector.broadcast %logistic3A_163 : f32 to vector<976x1xf32>
    %logistic3A_165 = arith.addf %logistic3A_164, %logistic3A_162 : vector<976x1xf32>
    %logistic3A_166 = arith.divf %logistic3A_164, %logistic3A_165 : vector<976x1xf32>
    %sub3A_167 = arith.constant 1.000000e+00 : f32
    %sub3A_168 = vector.broadcast %sub3A_167 : f32 to vector<976x1xf32>
    %sub3A_169 = arith.subf %sub3A_168, %logistic3A_166 : vector<976x1xf32>
    %log3A_170 = math.log %sub3A_169 : vector<976x1xf32>
    %mul3A_171 = arith.constant 2.500000e-01 : f32
    %mul3A_172 = vector.broadcast %mul3A_171 : f32 to vector<976x1xf32>
    %mul3A_173 = arith.mulf %mul3A_172, %log3A_170 : vector<976x1xf32>
    %sub3A_174 = arith.subf %neg3A_160, %mul3A_173 : vector<976x1xf32>
    %reduce_sum3A_175 = vector.shape_cast %sub3A_174 : vector<976x1xf32> to vector<1x976x1xf32>
    %reduce_sum3A_176 = arith.constant dense<0.000000e+00> : vector<1xf32>
    %reduce_sum3A_177 = vector.multi_reduction <add>, %reduce_sum3A_175, %reduce_sum3A_176 [1, 2] : vector<1x976x1xf32> to vector<1xf32>
    %reduce_sum3A_178 = vector.shape_cast %reduce_sum3A_177 : vector<1xf32> to vector<1x1x1xf32>
    %reduce_sum3A_179 = vector.extract %reduce_sum3A_178[0, 0, 0] : f32 from vector<1x1x1xf32>
    %div3A_180 = arith.constant 9.760000e+02 : f32
    %div3A_181 = arith.divf %reduce_sum3A_179, %div3A_180 : f32
    %add3A_182 = arith.addf %add3A_138, %div3A_181 : f32
    %div3A_183 = arith.constant 3.000000e+00 : f32
    %div3A_184 = arith.divf %add3A_182, %div3A_183 : f32
    %sub3A_185 = arith.subf %reshape3A_54, %get3A_1 : vector<1024x256xf32>
    %mul3A_186 = arith.mulf %sub3A_185, %sub3A_185 : vector<1024x256xf32>
    %reduce_sum3A_187 = vector.shape_cast %mul3A_186 : vector<1024x256xf32> to vector<1x1024x256xf32>
    %reduce_sum3A_188 = arith.constant dense<0.000000e+00> : vector<1xf32>
    %reduce_sum3A_189 = vector.multi_reduction <add>, %reduce_sum3A_187, %reduce_sum3A_188 [1, 2] : vector<1x1024x256xf32> to vector<1xf32>
    %reduce_sum3A_190 = vector.shape_cast %reduce_sum3A_189 : vector<1xf32> to vector<1x1x1xf32>
    %reduce_sum3A_191 = vector.extract %reduce_sum3A_190[0, 0, 0] : f32 from vector<1x1x1xf32>
    %div3A_192 = arith.constant 2.621440e+05 : f32
    %div3A_193 = arith.divf %reduce_sum3A_191, %div3A_192 : f32
    %reshape3A_194 = vector.broadcast %div3A_184 : f32 to vector<1x1xf32>
    %swap3A_195 = arith.constant 0 : index
    %swap3A_196 = arith.constant 0 : index
    %swap3A_197 = vector.load %arg8[%swap3A_195, %swap3A_196] : memref<1x1xf32, #tpu.memory_space<vmem>>, vector<1x1xf32>
    tpu.vector_store %arg8[%swap3A_195, %swap3A_196], %reshape3A_194 {strides = array<i32>} : memref<1x1xf32, #tpu.memory_space<vmem>>, vector<1x1xf32>,
    %reshape3A_198 = vector.broadcast %div3A_193 : f32 to vector<1x1xf32>
    %swap3A_199 = arith.constant 0 : index
    %swap3A_200 = arith.constant 0 : index
    %swap3A_201 = vector.load %arg9[%swap3A_199, %swap3A_200] : memref<1x1xf32, #tpu.memory_space<vmem>>, vector<1x1xf32>
    tpu.vector_store %arg9[%swap3A_199, %swap3A_200], %reshape3A_198 {strides = array<i32>} : memref<1x1xf32, #tpu.memory_space<vmem>>, vector<1x1xf32>,
    %add3A_202 = arith.addf %div3A_184, %div3A_193 : f32
    %mul3A_203 = arith.constant 2.500000e-01 : f32
    %mul3A_204 = arith.mulf %mul3A_203, %div3A_193 : f32
    %add3A_205 = arith.addf %add3A_202, %mul3A_204 : f32
    %reshape3A_206 = vector.broadcast %add3A_205 : f32 to vector<1x1xf32>
    %swap3A_207 = arith.constant 0 : index
    %swap3A_208 = arith.constant 0 : index
    %swap3A_209 = vector.load %arg10[%swap3A_207, %swap3A_208] : memref<1x1xf32, #tpu.memory_space<vmem>>, vector<1x1xf32>
    tpu.vector_store %arg10[%swap3A_207, %swap3A_208], %reshape3A_206 {strides = array<i32>} : memref<1x1xf32, #tpu.memory_space<vmem>>, vector<1x1xf32>,
    return
  }
}

</mosaic_0001>

<sc_bundles>
// kernel: kernel.5.cloned.1.call-start
scs
__scs_entry_jumppad:
0x0: {  	(pc) =	sbr.rel $0x88, $3  }
0x1: {  	(tag) =	ssettag $0x0;
	lr =	simm.s32 $0x1  }
0x2: {  	[smem:$0x3F99] =	sst lr;
	_ =	strace $0xD0000000  }
0x3: {  	_ = 	snop  }
0x4: {  	_ = 	snop  }
0x5: {  	_ = 	snop  }
0x6: {  	_ = 	snop  }
0x7: {  	_ = 	snop  }
__scs_overlays_trampoline_lowered:
0x8: {  	[smem:$0x3FA8] =	sst s0  }
0x9: {  	[smem:$0x3FA9] =	sst s1  }
0xa: {  	[smem:$0x3FAA] =	sst s2  }
0xb: {  	[smem:$0x3FAB] =	sst s3  }
0xc: {  	[smem:$0x3FAC] =	sst s4  }
0xd: {  	[smem:$0x3FAD] =	sst s5  }
0xe: {  	[smem:$0x3FAE] =	sst s6  }
0xf: {  	[smem:$0x3FAF] =	sst s7  }
0x10: {  	[smem:$0x3FB0] =	sst s8  }
0x11: {  	[smem:$0x3FB1] =	sst s9;
	s0 =	simm.s32 @!p0 $0x0  }
0x12: {  	s1 =	sld [smem:$0x3F97];
	s0 =	simm.s32 @p0 $0x1  }
0x13: {  	[smem:$0x3FB2] =	sst s0;
	s0 =	simm.s32 @!p1 $0x0  }
0x14: {  	s2 =	sld [smem:$0x3F96];
	s0 =	simm.s32 @p1 $0x1  }
0x15: {  	[smem:$0x3FB3] =	sst s0;
	s0 =	simm.s32 @!p2 $0x0  }
0x16: {  	s3 =	sld [smem:$0x3FDB];
	s0 =	simm.s32 @p2 $0x1  }
0x17: {  	s4 =	simm.s32 $0x1BF5;
	[smem:$0x3FB5] =	sst s0  }
0x18: {  	s0 =	sld [smem:$0x3F98];
	_ =	swait.ge [sflag:s4], $0x0  }
0x19: {  	s7 =	sld [smem:$0x3F99]  }
0x1a: {  	s8 =	sadd.s32 $0xFFFFE003, lr  }
0x1b: {  	s9 =	sadd.s32 $0xFFFFFEF7, lr;
	s5 =	simm.s32 $0xFFFFFFFF;
	p2 =	slt.u32 s8, $0xFFFFF086  }
0x1c: {  	p1 =	slt.u32 s9, $0xF7A;
	s5 =	simm.s32 @!p2 $0x0  }
0x1d: {  	s5 =	simm.s32 @p1 $0x1;
	p0 =	seq.s32 s7, s2  }
0x1e: {  	s7 =	smul.u32 @!p0 $0xF7A, s2;
	p2 =	seq.s32 @!p0 s5, $0x0  }
0x1f: {  	s9 =	smul.u32 $0xF7A, s1;
	s8 =	simm.s32 @!p0 $0x1BF5;
	p2 =	por !p2, p0  }
0x20: {  	[sflag:s8] =	ssyncset.s32 @!p0 $0xFFFFF086;
	s6 =	sadd.s32 @!p0 s3, s7;
	s7 =	simm.s32 @!p0 $0x108  }
0x21: {  	s3 =	sadd.s32 s3, s9;
	s6 =	sadd.s32 @!p0 $0x88, s6;
	s7 =	simm.s32 @p2 $0x1082  }
0x22: {  	[simem:s7], [sflag:s8] =	dma.local @!p0 [hbm:s6], $0xF7A  }
0x23: {  	s9 =	sor.u32 $0xD0000000, s2;
	s6 =	simm.s32 $0x108;
	_ =	swait.ge @!p0 [sflag:s8], $0x0  }
0x24: {  	s3 =	sadd.s32 $0x88, s3;
	s6 =	simm.s32 @!p1 $0x1082;
	[sflag:s4] =	ssyncset.s32 $0xFFFFF086  }
0x25: {  	[simem:s6], [sflag:s4] =	dma.local [hbm:s3], $0xF7A  }
0x26: {  	[smem:$0x3F99] =	sst s1;
	(tag) =	ssettag s2;
	_ =	strace s9  }
0x27: {  	s1 =	sld [smem:$0x3FA9]  }
0x28: {  	s2 =	sld [smem:$0x3FAA]  }
0x29: {  	s4 =	sld [smem:$0x3FAC]  }
0x2a: {  	p0 =	seq.s32 s5, $0x0;
	s5 =	sld [smem:$0x3FAD]  }
0x2b: {  	s6 =	sld [smem:$0x3FAE]  }
0x2c: {  	s7 =	sld [smem:$0x3FAF]  }
0x2d: {  	s3 =	simm.s32 $0x108;
	s8 =	sld [smem:$0x3FB0]  }
0x2e: {  	s3 =	simm.s32 @!p0 $0x1082;
	s9 =	sld [smem:$0x3FB1]  }
0x2f: {  	lr =	sadd.s32 s0, s3;
	s0 =	sld [smem:$0x3FA8]  }
0x30: {  	s3 =	sld [smem:$0x3FAB]  }
0x31: {  	[smem:$0x3FB4] =	sst s10  }
0x32: {  	s10 =	sld [smem:$0x3FB2];
	_ =	sdelay $0x3  }
0x33: {  	p0 =	seq.s32 s10, $0x1;
	s10 =	sld [smem:$0x3FB4];
	_ =	sdelay $0x3  }
0x34: {  	[smem:$0x3FB4] =	sst s10  }
0x35: {  	s10 =	sld [smem:$0x3FB3];
	_ =	sdelay $0x3  }
0x36: {  	p1 =	seq.s32 s10, $0x1;
	s10 =	sld [smem:$0x3FB4];
	_ =	sdelay $0x3  }
0x37: {  	[smem:$0x3FB4] =	sst s10  }
0x38: {  	s10 =	sld [smem:$0x3FB5]  }
0x39: {  	_ = 	snop;
	(pc) =	sbr.ind lr, $3  }
0x3a: {  	_ = 	snop  }
0x3b: {  	_ = 	snop  }
0x3c: {  	p2 =	seq.s32 s10, $0x1;
	s10 =	sld [smem:$0x3FB4]  }
0x3d: {  	_ =	shalt  }
0x3e: {  	_ =	shalt  }
0x3f: {  	_ =	shalt  }
0x40: {  	_ =	shalt  }
0x41: {  	_ =	shalt  }
0x42: {  	_ =	shalt  }
0x43: {  	_ =	shalt  }
0x44: {  	_ =	shalt  }
0x45: {  	_ =	shalt  }
0x46: {  	_ =	shalt  }
0x47: {  	_ =	shalt  }
0x48: {  	_ =	shalt  }
0x49: {  	_ =	shalt  }
0x4a: {  	_ =	shalt  }
0x4b: {  	_ =	shalt  }
0x4c: {  	_ =	shalt  }
0x4d: {  	_ =	shalt  }
0x4e: {  	_ =	shalt  }
0x4f: {  	_ =	shalt  }
0x50: {  	_ =	shalt  }
0x51: {  	_ =	shalt  }
0x52: {  	_ =	shalt  }
0x53: {  	_ =	shalt  }
0x54: {  	_ =	shalt  }
0x55: {  	_ =	shalt  }
0x56: {  	_ =	shalt  }
0x57: {  	_ =	shalt  }
0x58: {  	_ =	shalt  }
0x59: {  	_ =	shalt  }
0x5a: {  	_ =	shalt  }
0x5b: {  	_ =	shalt  }
0x5c: {  	_ =	shalt  }
0x5d: {  	_ =	shalt  }
0x5e: {  	_ =	shalt  }
0x5f: {  	_ =	shalt  }
0x60: {  	_ =	shalt  }
0x61: {  	_ =	shalt  }
0x62: {  	_ =	shalt  }
0x63: {  	_ =	shalt  }
0x64: {  	_ =	shalt  }
0x65: {  	_ =	shalt  }
0x66: {  	_ =	shalt  }
0x67: {  	_ =	shalt  }
0x68: {  	_ =	shalt  }
0x69: {  	_ =	shalt  }
0x6a: {  	_ =	shalt  }
0x6b: {  	_ =	shalt  }
0x6c: {  	_ =	shalt  }
0x6d: {  	_ =	shalt  }
0x6e: {  	_ =	shalt  }
0x6f: {  	_ =	shalt  }
0x70: {  	_ =	shalt  }
0x71: {  	_ =	shalt  }
0x72: {  	_ =	shalt  }
0x73: {  	_ =	shalt  }
0x74: {  	_ =	shalt  }
0x75: {  	_ =	shalt  }
0x76: {  	_ =	shalt  }
0x77: {  	_ =	shalt  }
0x78: {  	_ =	shalt  }
0x79: {  	_ =	shalt  }
0x7a: {  	_ =	shalt  }
0x7b: {  	_ =	shalt  }
0x7c: {  	_ =	shalt  }
0x7d: {  	_ =	shalt  }
0x7e: {  	_ =	shalt  }
0x7f: {  	_ =	shalt  }
0x80: {  	_ =	shalt  }
0x81: {  	_ =	shalt  }
0x82: {  	_ =	shalt  }
0x83: {  	_ =	shalt  }
0x84: {  	_ =	shalt  }
0x85: {  	_ =	shalt  }
0x86: {  	_ =	shalt  }
0x87: {  	_ =	shalt  }
.Lfunc_end0:
.L_simem_size_0:
called_computation_lowered:
.L_overlay_start_0:
0x88: {  	s2 =	sld [smem:$0x3FD9]  }
0x89: {  	s3 =	sld [smem:$0x3FFE];
	_ =	sdelay $0x1  }
0x8a: {  	s1 =	srdreg.scid  }
0x8b: {  	s0 =	sand.u32 $0x1, s1  }
0x8c: {  	s14 =	sshll.u32 s0, $0xA;
	s2 =	sadd.s32 s3, s2  }
0x8d: {  	s2 =	sadd.s32 s2, s14  }
0x8e: {  	[smem:$0x3FC0] =	sst s2  }
0x8f: {  	_ = 	snop  }
0x90: {  	s2 =	sld [smem:$0x3FD0];
	_ =	sdelay $0x2  }
0x91: {  	s4 =	simm.s32 $0xA;
	s5 =	simm.s32 $0x10;
	s15 =	sld [smem:$0x3FC8]  }
0x92: {  	[smem:s5], [sflag:s4] =	dma.local [hbm:s2], $0x1  }
0x93: {  	_ =	swait.eq [sflag:s4], $0x1  }
0x94: {  	[sflag:s4] =	ssyncset.done $0x0  }
0x95: {  	[sflag:s4] =	ssyncadd.s32 $0xFFFFFFFF  }
0x96: {  	s16 =	sld [smem:$0x11];
	(tm) =	ssettm $0x1  }
0x97: {  	s17 =	sld [smem:$0x3FFB];
	_ =	sdelay $0x3  }
0x98: {  	_ =	strace s17  }
0x99: {  	s4 =	sld [smem:$0x3FFC];
	_ =	sdelay $0x3  }
0x9a: {  	_ =	strace s4  }
0x9b: {  	s4 =	sld [smem:$0x3FFD];
	_ =	sdelay $0x3  }
0x9c: {  	_ =	strace s4  }
0x9d: {  	_ =	strace $0x8FFFFFFF  }
0x9e: {  	s18 =	sld [smem:$0x3FDB];
	_ =	sdelay $0x1  }
0x9f: {  	s19 =	simm.s32 $_scs_section_size  }
0xa0: {  	s6 =	simm.s32 $_size__tile_overlayer_lowered;
	s7 =	simm.s32 $_tile_overlayer_lowered  }
0xa1: {  	s22 =	simm.s32 $0x1BFF;
	s21 =	sshll.u32 s7, $0x1;
	s4 =	sadd.s32 s19, s18  }
0xa2: {  	s8 =	simm.s32 $0x0;
	s20 =	sshll.u32 s6, $0x1;
	s6 =	sadd.s32 s21, s4  }
0xa3: {  	[timem:s8], [sflag:s22] =	dma.local [hbm:s6], s20  }
0xa4: {  	_ =	swait.ge [sflag:s22], s20  }
0xa5: {  	s5 =	ssub.s32 $0x0, s20;
	[sflag:s22] =	ssyncset.done $0x0  }
0xa6: {  	[sflag:s22] =	ssyncadd.s32 s5;
	_ =	sdelay $0x1  }
0xa7: {  	s23 =	simm.s32 $0x1B8B  }
0xa8: {  	_ =	swait.ge [sflag:s23], $0x1  }
0xa9: {  	[sflag:s23] =	ssyncset.done $0x0  }
0xaa: {  	s25 =	simm.s32 $0x1B8E;
	s24 =	sld [smem:$0x3FFE];
	[sflag:s23] =	ssyncadd.s32 $0xFFFFFFFF  }
0xab: {  	s26 =	simm.s32 $execute0_lowered;
	[smem:$0x3FD2] =	sst s25  }
0xac: {  	s6 =	sshll.u32 s26, $0x1;
	_ =	strace $0x80000046;
	[dreg:$0x1] =	wrdreg $0xFFFFFFFF  }
0xad: {  	s28 =	simm.s32 $_size_execute0_lowered;
	s4 =	sadd.s32 s4, s6;
	[dreg:$0x0] =	wrdreg $0x0  }
0xae: {  	s6 =	sshll.u32 s28, $0x1;
	[dreg:$0x2] =	wrdreg s4  }
0xaf: {  	[dreg:$0x3] =	wrdreg s6  }
0xb0: {  	[dreg:$0x4] =	wrdreg $0xC0  }
0xb1: {  	_ =	task [dreg:s8], $0x5FFFF  }
0xb2: {  	[dreg:$0x1] =	wrdreg $0xFFFFFFFF  }
0xb3: {  	[dreg:$0x0] =	wrdreg $0x60  }
0xb4: {  	[dreg:$0x2] =	wrdreg s15  }
0xb5: {  	[dreg:$0x3] =	wrdreg s24  }
0xb6: {  	[dreg:$0x4] =	wrdreg s16  }
0xb7: {  	[dreg:$0x5] =	wrdreg $0x9  }
0xb8: {  	_ =	task.clear_ibuf [dreg:s8], $0x6FFFF;
	_ =	strace $0x90000046  }
0xb9: {  	s29 =	simm.s32 $0x9;
	_ =	strace $0x8000004D  }
0xba: {  	_ =	swait.ge [sflag:s29], $0x1  }
0xbb: {  	[sflag:s29] =	ssyncadd.s32 $0xFFFFFFFF  }
0xbc: {  	_ =	strace $0x9000004D  }
0xbd: {  	_ =	sfence  }
0xbe: {  	s30 =	sld [smem:$0x0];
	_ =	sdelay $0x2  }
0xbf: {  	s31 =	sshll.u32 s1, $0xD;
	s1 =	sshrl.u32 s1, $0x2  }
0xc0: {  	s3 =	sand.u32 $0x4000, s31;
	s1 =	sadd.s32 s1, s30  }
0xc1: {  	s0 =	sor.u32 s3, s0;
	s1 =	sshll.u32 s1, $0x11  }
0xc2: {  	s0 =	sor.u32 s1, s0  }
0xc3: {  	s0 =	sadd.s32 $0x8F2B, s0  }
0xc4: {  	[sflag:s0] =	ssyncadd.remote.s32 $0x1  }
0xc5: {  	_ =	sfence.sel $0xFFFF  }
0xc6: {  	[dreg:$0x0] =	wrdreg $0xFFFFFFFF;
	(pc) =	sbr.abs _section_cstart, $3  }
0xc7: {  	[dreg:$0x1] =	wrdreg $0xFFFFFFFF  }
0xc8: {  	_ =	task.clear_ibuf [dreg:s8], $0x2FFFF;
	_ =	strace $0x9FFFFFFF  }
0xc9: {  	(tm) =	ssettm $0x7FFFFFFF  }
tec
execute0_lowered:
.L_overlay_start_1:
0x0: {  	(tag) =	ssettag $0x1  }
0x1: {  	s1 =	rddreg [dreg:$0x0]  }
0x2: {  	s4 =	rddreg [dreg:$0x1];
	s0 =	srdreg.scid  }
0x3: {  	s5 =	rddreg [dreg:$0x2];
	s2 =	stileid.u32  }
0x4: {  	s3 =	simm.s32 $0x0;
	s10 =	simm.s32 $0x1100;
	s11 =	simm.s32 $0x1900  }
0x5: {  	s12 =	simm.s32 $0x5;
	s6 =	sand.u32 $0x1, s0;
	s0 =	rddreg [dreg:$0x3]  }
0x6: {  	s13 =	simm.s32 $0x3;
	s8 =	sshll.u32 s2, $0x4;
	[smem:$0x7FF] =	sst s3  }
0x7: {  	s7 =	sshll.u32 s6, $0x4;
	s8 =	sand.u32 $0x70, s8;
	s6 =	ssub.s32 $0x2, s6  }
0x8: {  	_ =	strace $0x80000047;
	s7 =	sor.u32 s2, s7;
	s4 =	sadd.s32 s8, s4  }
0x9: {  	s31 =	sshrl.u32 s6, $0x1;
	s8 =	simm.s32 $0x100;
	s9 =	sshll.u32 s7, $0x4  }
0xa: {  	v2 =	vlaneseq.u32;
	s6 =	ssub.s32 s6, s31;
	s7 =	sshll.u32 s7, $0xA;
	s30 =	sand.u32 $0x180, s9  }
0xb: {  	vm0 =	vmmov $0xffff;
	v1 =	vshrl.u32 v2, $0x3;
	s5 =	sadd.s32 s5, s7;
	s6 =	smax.u32 s6, $0x1;
	s4 =	sadd.s32 s30, s4  }
0xc: {  	v0 =	vand.u32 $0x7, v2;
	v2 =	vor.u32 $0x8, v2;
	v1 =	vmul.u32 $0x8, v1;
	s7 =	simm.s32 $0x1;
	s9 =	simm.s32 $0x900;
	s4 =	sadd.s32 $0x1000, s4  }
.LBB2_1:
0xd: {  	_ =	strace $0x80000048  }
0xe: {  	[tilespmem:s3], [sflag:$0x1] =	stream.linear.gather [hbm4b:s4+s3], $0x80, $0x200038;
	[tilespmem:$0x4100] =	vst v63  }
0xf: {  	_ =	strace $0x90000048  }
0x10: {  	_ =	strace $0x80000049  }
0x11: {  	_ =	swait.ge [sflag:s7], $0x80  }
0x12: {  	[sflag:s7] =	ssyncset.done $0x0  }
0x13: {  	[sflag:s7] =	ssyncadd.s32 $0xFFFFFF80  }
0x14: {  	_ =	strace $0x90000049  }
0x15: {  	_ =	strace $0x8000004A  }
0x16: {  	v3 =	vld [tilespmem:$0x0];
	_ =	sdelay $0x4  }
0x17: {  	v4 =	vshll.u32 v3, $0x1  }
0x18: {  	v3 =	vand.u32 $0x7, v3;
	v4 =	vand.u32 $0xFFFFFFF0, v4  }
0x19: {  	v3 =	vor.u32 v3, v4  }
0x1a: {  	v4 =	vperm.xlane v3, v0;
	_ =	sdelay $0x1  }
0x1b: {  	v3 =	vperm.xlane v3, v2;
	v4 =	vadd.s32 v1, v4;
	_ =	sdelay $0x1  }
0x1c: {  	v3 =	vadd.s32 v1, v3;
	_ =	sdelay $0x2  }
0x1d: {  	[tilespmem:s8], [sflag:$0x5] =	stream.indirect_vreg.gather [hbm4b:s1+s3], $0x80, v4, vm0, $0x2000b8;
	[tilespmem:$0x4100] =	vst v63  }
0x1e: {  	_ = 	snop  }
0x1f: {  	[tilespmem:s9], [sflag:$0x5] =	stream.indirect_vreg.gather [hbm4b:s1+s3], $0x80, v3, vm0, $0x2000b8;
	[tilespmem:$0x4100] =	vst v63  }
0x20: {  	v3 =	vld [tilespmem:$0x10];
	_ =	sdelay $0x4  }
0x21: {  	v63 =	vshll.u32 v3, $0x1  }
0x22: {  	v3 =	vand.u32 $0x7, v3;
	v4 =	vand.u32 $0xFFFFFFF0, v63  }
0x23: {  	v3 =	vor.u32 v3, v4  }
0x24: {  	v4 =	vperm.xlane v3, v0;
	_ =	sdelay $0x1  }
0x25: {  	v3 =	vperm.xlane v3, v2;
	v4 =	vadd.s32 v1, v4;
	_ =	sdelay $0x1  }
0x26: {  	v3 =	vadd.s32 v1, v3;
	_ =	sdelay $0x2  }
0x27: {  	[tilespmem:s10], [sflag:$0x5] =	stream.indirect_vreg.gather [hbm4b:s1+s3], $0x80, v4, vm0, $0x2000b8;
	[tilespmem:$0x4100] =	vst v63  }
0x28: {  	_ = 	snop  }
0x29: {  	[tilespmem:s11], [sflag:$0x5] =	stream.indirect_vreg.gather [hbm4b:s1+s3], $0x80, v3, vm0, $0x2000b8;
	[tilespmem:$0x4100] =	vst v63  }
0x2a: {  	_ =	swait.ge [sflag:s12], $0x2000  }
0x2b: {  	[sflag:s12] =	ssyncset.done $0x0  }
0x2c: {  	[sflag:s12] =	ssyncadd.s32 $0xFFFFE000  }
0x2d: {  	_ =	strace $0x9000004A  }
0x2e: {  	_ =	strace $0x8000004B  }
0x2f: {  	[hbm4b:s5+s3] =	stream.linear.scatter [tilespmem:s8], [sflag:$0x3], $0x2000, $0x200038;
	[tilespmem:$0x4100] =	vst v63  }
0x30: {  	p0 =	sne.s32 s6, $0x1;
	_ =	strace $0x9000004B  }
.Ltmp0:
0x31: {  	_ =	strace $0x8000004C;
	(pc) =	sbr.rel @p0 .LBB2_1-.Ltmp0, $4  }
0x32: {  	_ =	swait.ge [sflag:s13], $0x2000  }
0x33: {  	[sflag:s13] =	ssyncset.done $0x0  }
0x34: {  	[sflag:s13] =	ssyncadd.s32 $0xFFFFE000  }
0x35: {  	s6 =	sadd.s32 $0xFFFFFFFF, s6;
	_ =	strace $0x9000004C  }
0x36: {  	_ =	sfence.sel $0x180000  }
0x37: {  	[bflag:$0x0] =	sbarrier.arrive $0xFFFF  }
0x38: {  	p0 =	sne.s32 s2, $0x0;
	_ =	strace $0x90000047  }
0x39: {  	s0 =	sadd.s32 @!p0 $0x100000, s0;
	[bflag:$0x2] =	sbarrier.arrive $0xFFFF  }
0x3a: {  	[sflag:s0] =	ssyncadd.tile.s32 @!p0 $0x1;
	_ =	shalt  }
.Lfunc_end2:
_tile_overlayer_lowered:
.L_overlay_start_2:
0x3b: {  	(tag) =	ssettag $0x2  }
0x3c: {  	s0 =	rddreg [dreg:$0x0];
	s2 =	stileid.u32  }
0x3d: {  	s1 =	rddreg [dreg:$0x1];
	p0 =	sne.s32 s2, $0x0  }
0x3e: {  	s3 =	rddreg [dreg:$0x2];
	[bflag:$0x3] =	sbarrier.arrive $0xFFFF;
	s2 =	simm.s32 @!p0 $0x1C01  }
0x3f: {  	[timem:s3], [sflag:s2] =	dma.local @!p0 [hbm:s0], s1  }
0x40: {  	s0 =	simm.s32 @!p0 $0x1  }
0x41: {  	_ =	swait.ge @!p0 [sflag:s0], s1  }
0x42: {  	s1 =	ssub.s32 @!p0 $0x0, s1;
	[sflag:s0] =	ssyncset.done @!p0 $0x0  }
0x43: {  	[sflag:s0] =	ssyncadd.s32 @!p0 s1  }
0x44: {  	[bflag:$0x3] =	sbarrier.arrive $0xFFFF  }
0x45: {  	_ =	shalt  }

</sc_bundles>
